<compile_context>
chip_gen: v7x
topology: tpu7x:2x2x1
jax: 0.10.2.dev20260603
libtpu: 0.0.44.dev20260713+nightly
codegen_flags: <defaults>
</compile_context>

<pallas_src>
import functools

import jax
import jax.numpy as jnp
from jax import lax
from jax.experimental import pallas as pl
from jax.experimental.pallas import tpu as pltpu
from jax.experimental.pallas import tpu_sc as plsc

_B, _C, _H, _W = 4, 96, 384, 384
_N = 32
_L = 16
_NL = _N * _L
_NC, _NS = 2, 16
_NW = _NC * _NS
_SH = _NW // _B
_ROWS = _H // _SH
_HR = _ROWS // 2
_GPR = _W // _L
_CS = 72
_CT = _C - _CS
_HB = 16
_NT = _CS // 3


def _sc_segment_sums(feat, idx):
    mesh = plsc.VectorSubcoreMesh(core_axis_name="c", subcore_axis_name="s")

    @functools.partial(
        pl.kernel,
        out_type=(
            jax.ShapeDtypeStruct((_NW, _CS * _NL), jnp.float32),
            jax.ShapeDtypeStruct((_NW, _NL), jnp.float32),
        ),
        mesh=mesh,
        scratch_types=[
            pltpu.VMEM((_ROWS, _W), jnp.int32),
            pltpu.VMEM((_HR, _W), jnp.float32),
            pltpu.VMEM((_HR, _W), jnp.float32),
            pltpu.VMEM((_HR, _W), jnp.float32),
            pltpu.VMEM((_HR, _W), jnp.float32),
            pltpu.VMEM((_HR, _W), jnp.float32),
            pltpu.VMEM((_HR, _W), jnp.float32),
            pltpu.VMEM((_CS * _NL,), jnp.float32),
            pltpu.VMEM((_NL,), jnp.float32),
            pltpu.SemaphoreType.DMA,
            pltpu.SemaphoreType.DMA,
            pltpu.SemaphoreType.DMA,
        ],
        compiler_params=pltpu.CompilerParams(needs_layout_passes=False),
    )
    def seg_kernel(feat_hbm, idx_hbm, psum_hbm, pcnt_hbm,
                   ivf, f00, f01, f02, f10, f11, f12,
                   acc, cacc, sem0, sem1, isem):
        wid = lax.axis_index("s") * _NC + lax.axis_index("c")
        b = wid // _SH
        sh = wid % _SH
        r0 = sh * _ROWS
        fslots = ((f00, f01, f02), (f10, f11, f12))
        sems = (sem0, sem1)

        pltpu.async_copy(idx_hbm.at[b, pl.ds(r0, _ROWS), :], ivf, isem).wait()
        for q in (0, 1):
            for j in range(3):
                pltpu.async_copy(
                    feat_hbm.at[b, j, pl.ds(r0 + q * _HR, _HR), :],
                    fslots[q][j], sems[q],
                )

        lanes = lax.iota(jnp.int32, _L)
        zeros = jnp.zeros((_L,), jnp.float32)
        ones = jnp.ones((_L,), jnp.float32)

        def _zero_row(r, carry):
            @plsc.parallel_loop(0, _NL // _L, unroll=8)
            def _z(u):
                acc[pl.ds(r * _NL + u * _L, _L)] = zeros
            return carry
        lax.fori_loop(0, _CS, _zero_row, 0)

        @plsc.parallel_loop(0, _NL // _L, unroll=8)
        def _zero_cacc(u):
            cacc[pl.ds(u * _L, _L)] = zeros

        def _prep_row(r, carry):
            @plsc.parallel_loop(0, _GPR, unroll=8)
            def _grp(u):
                iv = ivf[r, pl.ds(u * _L, _L)]
                x = iv * _L + lanes
                ivf[r, pl.ds(u * _L, _L)] = x
                plsc.addupdate_scatter(cacc, [x], ones)
            return carry
        lax.fori_loop(0, _ROWS, _prep_row, 0)

        def _triad(kk, carry):
            ch0 = 3 * kk
            for q in range(2):
                fbs = fslots[q]
                sem = sems[q]
                for j in range(3):
                    pltpu.make_async_copy(
                        feat_hbm.at[b, ch0 + j, pl.ds(r0 + q * _HR, _HR), :],
                        fbs[j], sem,
                    ).wait()
                accs = tuple(
                    acc.at[pl.ds((ch0 + j) * _NL, _NL)] for j in range(3)
                )

                def _row(r, inner, q=q, fbs=fbs, accs=accs):
                    @plsc.parallel_loop(0, _GPR, unroll=4)
                    def _grp(u):
                        x = ivf[r + q * _HR, pl.ds(u * _L, _L)]
                        for j in range(3):
                            v = fbs[j][r, pl.ds(u * _L, _L)]
                            plsc.addupdate_scatter(accs[j], [x], v)
                    return inner
                lax.fori_loop(0, _HR, _row, 0)

                @pl.when(kk + 1 < _NT)
                def _prefetch(q=q, fbs=fbs, sem=sem, ch0=ch0):
                    for j in range(3):
                        pltpu.async_copy(
                            feat_hbm.at[
                                b, ch0 + 3 + j, pl.ds(r0 + q * _HR, _HR), :
                            ],
                            fbs[j], sem,
                        )
            return carry
        lax.fori_loop(0, _NT, _triad, 0)

        pltpu.sync_copy(acc, psum_hbm.at[wid])
        pltpu.sync_copy(cacc, pcnt_hbm.at[wid])

    return seg_kernel(feat, idx)


def _tc_segment_sums(feat, idx):

    def body(f_ref, i_ref, out_ref):
        acc = jnp.zeros((_N, _CT), jnp.float32)
        seg = lax.broadcasted_iota(jnp.int32, (_N, _W), 0)
        for hr in range(_HB):
            xr = f_ref[0, :, hr, :]
            ir = i_ref[0, hr, :]
            oh = (jnp.broadcast_to(ir[None, :], (_N, _W)) == seg)
            acc = acc + lax.dot_general(
                oh.astype(jnp.float32), xr,
                (((1,), (1,)), ((), ())))

        @pl.when(pl.program_id(1) == 0)
        def _init():
            out_ref[0] = acc

        @pl.when(pl.program_id(1) != 0)
        def _accum():
            out_ref[0] += acc

    return pl.pallas_call(
        body,
        grid=(_B, _H // _HB),
        in_specs=[
            pl.BlockSpec((1, _CT, _HB, _W), lambda b, h: (b, _CS // _CT, h, 0)),
            pl.BlockSpec((1, _HB, _W), lambda b, h: (b, h, 0)),
        ],
        out_specs=pl.BlockSpec((1, _N, _CT), lambda b, h: (b, 0, 0)),
        out_shape=jax.ShapeDtypeStruct((_B, _N, _CT), jnp.float32),
    )(feat, idx)


def _tc_finalize(psum, pcnt, tcsum):

    def body(ps_ref, pc_ref, tc_ref, sp_ref, sim_ref):
        x = jnp.sum(ps_ref[0], axis=0)
        cn = jnp.sum(pc_ref[0], axis=0)
        col = lax.broadcasted_iota(jnp.int32, (_NL, _N), 0) // _L
        seg = lax.broadcasted_iota(jnp.int32, (_NL, _N), 1)
        onehot = (col == seg).astype(jnp.float32)
        dims = (((0,), (1,)), ((), ()))
        sums_t = lax.dot_general(onehot, x, dims,
                                 precision=lax.Precision.HIGHEST)
        cnt_t = lax.dot_general(onehot, cn[None, :], dims,
                                precision=lax.Precision.HIGHEST)
        inv = 1.0 / jnp.maximum(cnt_t, 1.0)
        m_sc = sums_t * inv
        m_tc = tc_ref[0] * inv
        sp_ref[0, :, 0:_CS] = m_sc
        sp_ref[0, :, _CS:_C] = m_tc
        gdims = (((1,), (1,)), ((), ()))
        gram = (lax.dot_general(m_sc, m_sc, gdims,
                                precision=lax.Precision.HIGHEST)
                + lax.dot_general(m_tc, m_tc, gdims,
                                  precision=lax.Precision.HIGHEST))
        r = jnp.sum(m_sc * m_sc, axis=1) + jnp.sum(m_tc * m_tc, axis=1)
        sim_ref[0] = 1.0 - 0.5 * (r[:, None] + r[None, :]) + gram

    return pl.pallas_call(
        body,
        grid=(_B,),
        in_specs=[
            pl.BlockSpec((1, _SH, _CS, _NL), lambda b: (b, 0, 0, 0)),
            pl.BlockSpec((1, _SH, _NL), lambda b: (b, 0, 0)),
            pl.BlockSpec((1, _N, _CT), lambda b: (b, 0, 0)),
        ],
        out_specs=[
            pl.BlockSpec((1, _N, _C), lambda b: (b, 0, 0)),
            pl.BlockSpec((1, _N, _N), lambda b: (b, 0, 0)),
        ],
        out_shape=[
            jax.ShapeDtypeStruct((_B, _N, _C), jnp.float32),
            jax.ShapeDtypeStruct((_B, _N, _N), jnp.float32),
        ],
    )(psum, pcnt, tcsum)


def kernel(features, superpixel_indices):
    psum, pcnt = _sc_segment_sums(features, superpixel_indices)
    tcsum = _tc_segment_sums(features, superpixel_indices)
    ps = psum.reshape(_B, _SH, _CS, _NL)
    pc = pcnt.reshape(_B, _SH, _NL)
    sp, sim = _tc_finalize(ps, pc, tcsum)
    return (sp, sim)

# --- scband reference (transcript-rebuilt; emitter-appended) ---
"""Pipeline reference for scband-semantic-similarity-56229711839979 (READ-ONLY COPY).

The authoritative reference and input builder live on the scoring server;
editing this copy changes nothing except your own understanding.
"""

import jax, jax.numpy as jnp
import numpy as np

B, C, H, W = 4, 96, 384, 384
N = 32

def setup_inputs(seed: int = 0) -> dict:
    key = jax.random.key(seed)
    k1, k2 = jax.random.split(key)
    features = jax.random.normal(k1, (B, C, H, W), dtype=jnp.float32)
    superpixel_indices = jax.random.randint(k2, (B, H, W), 0, N, dtype=jnp.int32)
    return {"features": features, "superpixel_indices": superpixel_indices}

def reference(features, superpixel_indices):
    b, c, h, w = features.shape
    # [b, HW, c] pixel-major features
    flat = jnp.transpose(features.reshape(b, c, h * w), (0, 2, 1))
    idx = superpixel_indices.reshape(b, h * w)

    def per_batch(f, i):
        sums = jax.ops.segment_sum(f, i, num_segments=N)
        counts = jax.ops.segment_sum(jnp.ones((f.shape[0],), f.dtype), i, num_segments=N)
        # empty superpixels: sums are 0 so mean stays 0, matching the torch loop
        return sums / jnp.maximum(counts, 1.0)[:, None]

    sp = jax.vmap(per_batch)(flat, idx)  # [b, N, c]
    diff = sp[:, :, None, :] - sp[:, None, :, :]  # [b, N, N, c]
    similarity = 1.0 - 0.5 * jnp.sum(diff * diff, axis=3)  # norm(diff)**2 == sum of squares
    return (sp, similarity)

if __name__ == "__main__":
    import jax
    _d = setup_inputs()
    print(jax.jit(kernel)(*tuple(_d.values())))

</pallas_src>

<mosaic_0001>
#map = affine_map<(d0, d1) -> (0, 0, 0, 0)>
#map1 = affine_map<(d0, d1) -> (0, 0, 0)>
#map2 = affine_map<(d0, d1) -> (0, 0)>
module attributes {stable_mosaic.version = 14 : i64} {
  func.func @seg_kernel(%arg0: i32, %arg1: i32, %arg2: memref<4x96x384x384xf32, #tpu.memory_space<hbm>>, %arg3: memref<4x384x384xi32, #tpu.memory_space<hbm>>, %arg4: memref<32x36864xf32, #tpu.memory_space<hbm>>, %arg5: memref<32x512xf32, #tpu.memory_space<hbm>>, %arg6: memref<48x384xi32, #tpu.memory_space<vmem>>, %arg7: memref<24x384xf32, #tpu.memory_space<vmem>>, %arg8: memref<24x384xf32, #tpu.memory_space<vmem>>, %arg9: memref<24x384xf32, #tpu.memory_space<vmem>>, %arg10: memref<24x384xf32, #tpu.memory_space<vmem>>, %arg11: memref<24x384xf32, #tpu.memory_space<vmem>>, %arg12: memref<24x384xf32, #tpu.memory_space<vmem>>, %arg13: memref<36864xf32, #tpu.memory_space<vmem>>, %arg14: memref<512xf32, #tpu.memory_space<vmem>>, %arg15: memref<!tpu.dma_semaphore, #tpu.memory_space<semaphore_mem>>, %arg16: memref<!tpu.dma_semaphore, #tpu.memory_space<semaphore_mem>>, %arg17: memref<!tpu.dma_semaphore, #tpu.memory_space<semaphore_mem>>) attributes {dimension_semantics = [#tpu.dimension_semantics<core_parallel>, #tpu.dimension_semantics<subcore_parallel>], iteration_bounds = array<i64: 2, 16>, scalar_prefetch = 0 : i64, scratch_operands = 12 : i64, tpu.core_type = #tpu.core_type<sc_vector_subcore>, window_params = [{transform_indices = #map}, {transform_indices = #map1}, {transform_indices = #map2}, {transform_indices = #map2}]} {
    %mul3A = arith.constant 2 : i32
    %mul3A_0 = arith.muli %arg1, %mul3A : i32
    %add3A = arith.addi %mul3A_0, %arg0 : i32
    %jit3A = arith.constant 8 : i32
    %div3A = arith.divsi %add3A, %jit3A : i32
    %sign3A = arith.constant 0 : i32
    %sign3A_1 = arith.cmpi sgt, %add3A, %sign3A : i32
    %sign3A_2 = arith.extui %sign3A_1 : i1 to i32
    %sign3A_3 = arith.constant 0 : i32
    %sign3A_4 = arith.cmpi slt, %add3A, %sign3A_3 : i32
    %sign3A_5 = arith.extui %sign3A_4 : i1 to i32
    %sign3A_6 = arith.subi %sign3A_2, %sign3A_5 : i32
    %sign3A_7 = arith.constant 0 : i32
    %sign3A_8 = arith.cmpi sgt, %jit3A, %sign3A_7 : i32
    %sign3A_9 = arith.extui %sign3A_8 : i1 to i32
    %sign3A_10 = arith.constant 0 : i32
    %sign3A_11 = arith.cmpi slt, %jit3A, %sign3A_10 : i32
    %sign3A_12 = arith.extui %sign3A_11 : i1 to i32
    %sign3A_13 = arith.subi %sign3A_9, %sign3A_12 : i32
    %ne3A = arith.cmpi ne, %sign3A_6, %sign3A_13 : i32
    %rem3A = arith.remsi %add3A, %jit3A : i32
    %ne3A_14 = arith.constant 0 : i32
    %ne3A_15 = arith.cmpi ne, %rem3A, %ne3A_14 : i32
    %and3A = arith.andi %ne3A, %ne3A_15 : i1
    %sub3A = arith.constant 1 : i32
    %sub3A_16 = arith.subi %div3A, %sub3A : i32
    %select_n3A = arith.select %and3A, %sub3A_16, %div3A : i32
    %jit3A_17 = arith.constant 8 : i32
    %eq3A = arith.constant 0 : i32
    %eq3A_18 = arith.cmpi eq, %jit3A_17, %eq3A : i32
    %jit3A_19 = arith.constant 1 : i32
    %select_n3A_20 = arith.select %eq3A_18, %jit3A_19, %jit3A_17 : i32
    %rem3A_21 = arith.remsi %add3A, %select_n3A_20 : i32
    %ne3A_22 = arith.constant 0 : i32
    %ne3A_23 = arith.cmpi ne, %rem3A_21, %ne3A_22 : i32
    %lt3A = arith.constant 0 : i32
    %lt3A_24 = arith.cmpi slt, %rem3A_21, %lt3A : i32
    %lt3A_25 = arith.constant 0 : i32
    %lt3A_26 = arith.cmpi slt, %select_n3A_20, %lt3A_25 : i32
    %ne3A_27 = arith.xori %lt3A_24, %lt3A_26 : i1
    %and3A_28 = arith.andi %ne3A_27, %ne3A_23 : i1
    %add3A_29 = arith.addi %rem3A_21, %select_n3A_20 : i32
    %select_n3A_30 = arith.select %and3A_28, %add3A_29, %rem3A_21 : i32
    %mul3A_31 = arith.constant 48 : i32
    %mul3A_32 = arith.muli %select_n3A_30, %mul3A_31 : i32
    %dma_start3A = arith.constant 0 : i32
    %dma_start3A_33 = tpu.memref_slice %arg3[%select_n3A, %mul3A_32, %dma_start3A] : memref<4x384x384xi32, #tpu.memory_space<hbm>> -> memref<1x48x384xi32, #tpu.memory_space<hbm>>
    %dma_start3A_34 = tpu.memref_squeeze %dma_start3A_33 : memref<1x48x384xi32, #tpu.memory_space<hbm>> -> memref<48x384xi32, #tpu.memory_space<hbm>>
    %dma_start3A_35 = arith.constant 0 : i32
    %dma_start3A_36 = tpu.memref_slice %arg3[%select_n3A, %mul3A_32, %dma_start3A_35] : memref<4x384x384xi32, #tpu.memory_space<hbm>> -> memref<1x48x384xi32, #tpu.memory_space<hbm>>
    %dma_start3A_37 = tpu.memref_squeeze %dma_start3A_36 : memref<1x48x384xi32, #tpu.memory_space<hbm>> -> memref<48x384xi32, #tpu.memory_space<hbm>>
    tpu.enqueue_dma source(%dma_start3A_37 : memref<48x384xi32, #tpu.memory_space<hbm>>) target(%arg6 : memref<48x384xi32, #tpu.memory_space<vmem>>) target_semaphore(%arg17 : memref<!tpu.dma_semaphore, #tpu.memory_space<semaphore_mem>>)
    %dma_wait3A = arith.constant 0 : i32
    %dma_wait3A_38 = tpu.memref_slice %arg3[%select_n3A, %mul3A_32, %dma_wait3A] : memref<4x384x384xi32, #tpu.memory_space<hbm>> -> memref<1x48x384xi32, #tpu.memory_space<hbm>>
    %dma_wait3A_39 = tpu.memref_squeeze %dma_wait3A_38 : memref<1x48x384xi32, #tpu.memory_space<hbm>> -> memref<48x384xi32, #tpu.memory_space<hbm>>
    %dma_wait3A_40 = arith.constant 0 : i32
    %dma_wait3A_41 = tpu.memref_slice %arg3[%select_n3A, %mul3A_32, %dma_wait3A_40] : memref<4x384x384xi32, #tpu.memory_space<hbm>> -> memref<1x48x384xi32, #tpu.memory_space<hbm>>
    %dma_wait3A_42 = tpu.memref_squeeze %dma_wait3A_41 : memref<1x48x384xi32, #tpu.memory_space<hbm>> -> memref<48x384xi32, #tpu.memory_space<hbm>>
    tpu.wait_dma2 semaphore(%arg17 : memref<!tpu.dma_semaphore, #tpu.memory_space<semaphore_mem>>) src(%dma_wait3A_42 : memref<48x384xi32, #tpu.memory_space<hbm>>) dst(%arg6 : memref<48x384xi32, #tpu.memory_space<vmem>>)
    %add3A_43 = arith.constant 0 : i32
    %add3A_44 = arith.addi %mul3A_32, %add3A_43 : i32
    %dma_start3A_45 = arith.constant 0 : i32
    %dma_start3A_46 = arith.constant 0 : i32
    %dma_start3A_47 = tpu.memref_slice %arg2[%select_n3A, %dma_start3A_45, %add3A_44, %dma_start3A_46] : memref<4x96x384x384xf32, #tpu.memory_space<hbm>> -> memref<1x1x24x384xf32, #tpu.memory_space<hbm>>
    %dma_start3A_48 = tpu.memref_squeeze %dma_start3A_47 : memref<1x1x24x384xf32, #tpu.memory_space<hbm>> -> memref<24x384xf32, #tpu.memory_space<hbm>>
    %dma_start3A_49 = arith.constant 0 : i32
    %dma_start3A_50 = tpu.memref_slice %arg2[%select_n3A, %dma_start3A_45, %add3A_44, %dma_start3A_49] : memref<4x96x384x384xf32, #tpu.memory_space<hbm>> -> memref<1x1x24x384xf32, #tpu.memory_space<hbm>>
    %dma_start3A_51 = tpu.memref_squeeze %dma_start3A_50 : memref<1x1x24x384xf32, #tpu.memory_space<hbm>> -> memref<24x384xf32, #tpu.memory_space<hbm>>
    tpu.enqueue_dma source(%dma_start3A_51 : memref<24x384xf32, #tpu.memory_space<hbm>>) target(%arg7 : memref<24x384xf32, #tpu.memory_space<vmem>>) target_semaphore(%arg15 : memref<!tpu.dma_semaphore, #tpu.memory_space<semaphore_mem>>)
    %add3A_52 = arith.constant 0 : i32
    %add3A_53 = arith.addi %mul3A_32, %add3A_52 : i32
    %dma_start3A_54 = arith.constant 1 : i32
    %dma_start3A_55 = arith.constant 0 : i32
    %dma_start3A_56 = tpu.memref_slice %arg2[%select_n3A, %dma_start3A_54, %add3A_53, %dma_start3A_55] : memref<4x96x384x384xf32, #tpu.memory_space<hbm>> -> memref<1x1x24x384xf32, #tpu.memory_space<hbm>>
    %dma_start3A_57 = tpu.memref_squeeze %dma_start3A_56 : memref<1x1x24x384xf32, #tpu.memory_space<hbm>> -> memref<24x384xf32, #tpu.memory_space<hbm>>
    %dma_start3A_58 = arith.constant 0 : i32
    %dma_start3A_59 = tpu.memref_slice %arg2[%select_n3A, %dma_start3A_54, %add3A_53, %dma_start3A_58] : memref<4x96x384x384xf32, #tpu.memory_space<hbm>> -> memref<1x1x24x384xf32, #tpu.memory_space<hbm>>
    %dma_start3A_60 = tpu.memref_squeeze %dma_start3A_59 : memref<1x1x24x384xf32, #tpu.memory_space<hbm>> -> memref<24x384xf32, #tpu.memory_space<hbm>>
    tpu.enqueue_dma source(%dma_start3A_60 : memref<24x384xf32, #tpu.memory_space<hbm>>) target(%arg8 : memref<24x384xf32, #tpu.memory_space<vmem>>) target_semaphore(%arg15 : memref<!tpu.dma_semaphore, #tpu.memory_space<semaphore_mem>>)
    %add3A_61 = arith.constant 0 : i32
    %add3A_62 = arith.addi %mul3A_32, %add3A_61 : i32
    %dma_start3A_63 = arith.constant 2 : i32
    %dma_start3A_64 = arith.constant 0 : i32
    %dma_start3A_65 = tpu.memref_slice %arg2[%select_n3A, %dma_start3A_63, %add3A_62, %dma_start3A_64] : memref<4x96x384x384xf32, #tpu.memory_space<hbm>> -> memref<1x1x24x384xf32, #tpu.memory_space<hbm>>
    %dma_start3A_66 = tpu.memref_squeeze %dma_start3A_65 : memref<1x1x24x384xf32, #tpu.memory_space<hbm>> -> memref<24x384xf32, #tpu.memory_space<hbm>>
    %dma_start3A_67 = arith.constant 0 : i32
    %dma_start3A_68 = tpu.memref_slice %arg2[%select_n3A, %dma_start3A_63, %add3A_62, %dma_start3A_67] : memref<4x96x384x384xf32, #tpu.memory_space<hbm>> -> memref<1x1x24x384xf32, #tpu.memory_space<hbm>>
    %dma_start3A_69 = tpu.memref_squeeze %dma_start3A_68 : memref<1x1x24x384xf32, #tpu.memory_space<hbm>> -> memref<24x384xf32, #tpu.memory_space<hbm>>
    tpu.enqueue_dma source(%dma_start3A_69 : memref<24x384xf32, #tpu.memory_space<hbm>>) target(%arg9 : memref<24x384xf32, #tpu.memory_space<vmem>>) target_semaphore(%arg15 : memref<!tpu.dma_semaphore, #tpu.memory_space<semaphore_mem>>)
    %add3A_70 = arith.constant 24 : i32
    %add3A_71 = arith.addi %mul3A_32, %add3A_70 : i32
    %dma_start3A_72 = arith.constant 0 : i32
    %dma_start3A_73 = arith.constant 0 : i32
    %dma_start3A_74 = tpu.memref_slice %arg2[%select_n3A, %dma_start3A_72, %add3A_71, %dma_start3A_73] : memref<4x96x384x384xf32, #tpu.memory_space<hbm>> -> memref<1x1x24x384xf32, #tpu.memory_space<hbm>>
    %dma_start3A_75 = tpu.memref_squeeze %dma_start3A_74 : memref<1x1x24x384xf32, #tpu.memory_space<hbm>> -> memref<24x384xf32, #tpu.memory_space<hbm>>
    %dma_start3A_76 = arith.constant 0 : i32
    %dma_start3A_77 = tpu.memref_slice %arg2[%select_n3A, %dma_start3A_72, %add3A_71, %dma_start3A_76] : memref<4x96x384x384xf32, #tpu.memory_space<hbm>> -> memref<1x1x24x384xf32, #tpu.memory_space<hbm>>
    %dma_start3A_78 = tpu.memref_squeeze %dma_start3A_77 : memref<1x1x24x384xf32, #tpu.memory_space<hbm>> -> memref<24x384xf32, #tpu.memory_space<hbm>>
    tpu.enqueue_dma source(%dma_start3A_78 : memref<24x384xf32, #tpu.memory_space<hbm>>) target(%arg10 : memref<24x384xf32, #tpu.memory_space<vmem>>) target_semaphore(%arg16 : memref<!tpu.dma_semaphore, #tpu.memory_space<semaphore_mem>>)
    %add3A_79 = arith.constant 24 : i32
    %add3A_80 = arith.addi %mul3A_32, %add3A_79 : i32
    %dma_start3A_81 = arith.constant 1 : i32
    %dma_start3A_82 = arith.constant 0 : i32
    %dma_start3A_83 = tpu.memref_slice %arg2[%select_n3A, %dma_start3A_81, %add3A_80, %dma_start3A_82] : memref<4x96x384x384xf32, #tpu.memory_space<hbm>> -> memref<1x1x24x384xf32, #tpu.memory_space<hbm>>
    %dma_start3A_84 = tpu.memref_squeeze %dma_start3A_83 : memref<1x1x24x384xf32, #tpu.memory_space<hbm>> -> memref<24x384xf32, #tpu.memory_space<hbm>>
    %dma_start3A_85 = arith.constant 0 : i32
    %dma_start3A_86 = tpu.memref_slice %arg2[%select_n3A, %dma_start3A_81, %add3A_80, %dma_start3A_85] : memref<4x96x384x384xf32, #tpu.memory_space<hbm>> -> memref<1x1x24x384xf32, #tpu.memory_space<hbm>>
    %dma_start3A_87 = tpu.memref_squeeze %dma_start3A_86 : memref<1x1x24x384xf32, #tpu.memory_space<hbm>> -> memref<24x384xf32, #tpu.memory_space<hbm>>
    tpu.enqueue_dma source(%dma_start3A_87 : memref<24x384xf32, #tpu.memory_space<hbm>>) target(%arg11 : memref<24x384xf32, #tpu.memory_space<vmem>>) target_semaphore(%arg16 : memref<!tpu.dma_semaphore, #tpu.memory_space<semaphore_mem>>)
    %add3A_88 = arith.constant 24 : i32
    %add3A_89 = arith.addi %mul3A_32, %add3A_88 : i32
    %dma_start3A_90 = arith.constant 2 : i32
    %dma_start3A_91 = arith.constant 0 : i32
    %dma_start3A_92 = tpu.memref_slice %arg2[%select_n3A, %dma_start3A_90, %add3A_89, %dma_start3A_91] : memref<4x96x384x384xf32, #tpu.memory_space<hbm>> -> memref<1x1x24x384xf32, #tpu.memory_space<hbm>>
    %dma_start3A_93 = tpu.memref_squeeze %dma_start3A_92 : memref<1x1x24x384xf32, #tpu.memory_space<hbm>> -> memref<24x384xf32, #tpu.memory_space<hbm>>
    %dma_start3A_94 = arith.constant 0 : i32
    %dma_start3A_95 = tpu.memref_slice %arg2[%select_n3A, %dma_start3A_90, %add3A_89, %dma_start3A_94] : memref<4x96x384x384xf32, #tpu.memory_space<hbm>> -> memref<1x1x24x384xf32, #tpu.memory_space<hbm>>
    %dma_start3A_96 = tpu.memref_squeeze %dma_start3A_95 : memref<1x1x24x384xf32, #tpu.memory_space<hbm>> -> memref<24x384xf32, #tpu.memory_space<hbm>>
    tpu.enqueue_dma source(%dma_start3A_96 : memref<24x384xf32, #tpu.memory_space<hbm>>) target(%arg12 : memref<24x384xf32, #tpu.memory_space<vmem>>) target_semaphore(%arg16 : memref<!tpu.dma_semaphore, #tpu.memory_space<semaphore_mem>>)
    %iota3A = tpu.iota {dimensions = array<i32: 0>} : vector<16xi32>
    %broadcast_in_dim3A = arith.constant 0.000000e+00 : f32
    %broadcast_in_dim3A_97 = vector.broadcast %broadcast_in_dim3A : f32 to vector<16xf32>
    %broadcast_in_dim3A_98 = arith.constant 1.000000e+00 : f32
    %broadcast_in_dim3A_99 = vector.broadcast %broadcast_in_dim3A_98 : f32 to vector<16xf32>
    %scan3A = arith.constant 0 : i32
    %scan3A_100 = arith.constant 0 : i32
    %scan3A_101 = arith.constant 72 : i32
    %scan3A_102 = arith.addi %scan3A_100, %scan3A_101 : i32
    %scan3A_103 = arith.constant 1 : i32
    scf.for %scan3A_119 = %scan3A_100 to %scan3A_102 step %scan3A_103  : i32 {
      %parallel_loop3A_120 = arith.constant 0 : i32
      %parallel_loop3A_121 = arith.constant 32 : i32
      %parallel_loop3A_122 = arith.constant 1 : i32
      scf.for %parallel_loop3A_123 = %parallel_loop3A_120 to %parallel_loop3A_121 step %parallel_loop3A_122  : i32 {
        %parallel_loop3A_124 = arith.constant 512 : i32
        %parallel_loop3A_125 = arith.muli %scan3A_119, %parallel_loop3A_124 : i32
        %parallel_loop3A_126 = arith.constant 16 : i32
        %parallel_loop3A_127 = arith.muli %parallel_loop3A_123, %parallel_loop3A_126 : i32
        %parallel_loop3A_128 = arith.addi %parallel_loop3A_125, %parallel_loop3A_127 : i32
        %parallel_loop3A_129 = arith.index_cast %parallel_loop3A_128 : i32 to index
        %parallel_loop3A_130 = tpu.vector_load %arg13[%parallel_loop3A_129] {strides = array<i32>} : memref<36864xf32, #tpu.memory_space<vmem>>, vector<16xf32>,
        tpu.vector_store %arg13[%parallel_loop3A_129], %broadcast_in_dim3A_97 {strides = array<i32>} : memref<36864xf32, #tpu.memory_space<vmem>>, vector<16xf32>,
      } {sc.loop_unroll_factor = 8 : i64, sc.parallel_access}
    }
    %scan3A_104 = arith.constant 72 : i32
    %parallel_loop3A = arith.constant 0 : i32
    %parallel_loop3A_105 = arith.constant 32 : i32
    %parallel_loop3A_106 = arith.constant 1 : i32
    scf.for %parallel_loop3A_119 = %parallel_loop3A to %parallel_loop3A_105 step %parallel_loop3A_106  : i32 {
      %parallel_loop3A_120 = arith.constant 16 : i32
      %parallel_loop3A_121 = arith.muli %parallel_loop3A_119, %parallel_loop3A_120 : i32
      %parallel_loop3A_122 = arith.index_cast %parallel_loop3A_121 : i32 to index
      %parallel_loop3A_123 = tpu.vector_load %arg14[%parallel_loop3A_122] {strides = array<i32>} : memref<512xf32, #tpu.memory_space<vmem>>, vector<16xf32>,
      tpu.vector_store %arg14[%parallel_loop3A_122], %broadcast_in_dim3A_97 {strides = array<i32>} : memref<512xf32, #tpu.memory_space<vmem>>, vector<16xf32>,
    } {sc.loop_unroll_factor = 8 : i64, sc.parallel_access}
    %scan3A_107 = arith.constant 0 : i32
    %scan3A_108 = arith.constant 0 : i32
    %scan3A_109 = arith.constant 48 : i32
    %scan3A_110 = arith.addi %scan3A_108, %scan3A_109 : i32
    %scan3A_111 = arith.constant 1 : i32
    scf.for %scan3A_119 = %scan3A_108 to %scan3A_110 step %scan3A_111  : i32 {
      %parallel_loop3A_120 = arith.constant 0 : i32
      %parallel_loop3A_121 = arith.constant 24 : i32
      %parallel_loop3A_122 = arith.constant 1 : i32
      scf.for %parallel_loop3A_123 = %parallel_loop3A_120 to %parallel_loop3A_121 step %parallel_loop3A_122  : i32 {
        %parallel_loop3A_124 = arith.constant 16 : i32
        %parallel_loop3A_125 = arith.muli %parallel_loop3A_123, %parallel_loop3A_124 : i32
        %parallel_loop3A_126 = arith.index_cast %scan3A_119 : i32 to index
        %parallel_loop3A_127 = arith.index_cast %parallel_loop3A_125 : i32 to index
        %parallel_loop3A_128 = tpu.vector_load %arg6[%parallel_loop3A_126, %parallel_loop3A_127] {strides = array<i32>} : memref<48x384xi32, #tpu.memory_space<vmem>>, vector<16xi32>,
        %parallel_loop3A_129 = arith.constant 16 : i32
        %parallel_loop3A_130 = vector.broadcast %parallel_loop3A_129 : i32 to vector<16xi32>
        %parallel_loop3A_131 = arith.muli %parallel_loop3A_128, %parallel_loop3A_130 : vector<16xi32>
        %parallel_loop3A_132 = arith.addi %parallel_loop3A_131, %iota3A : vector<16xi32>
        %parallel_loop3A_133 = arith.constant 16 : i32
        %parallel_loop3A_134 = arith.muli %parallel_loop3A_123, %parallel_loop3A_133 : i32
        %parallel_loop3A_135 = arith.index_cast %scan3A_119 : i32 to index
        %parallel_loop3A_136 = arith.index_cast %parallel_loop3A_134 : i32 to index
        %parallel_loop3A_137 = tpu.vector_load %arg6[%parallel_loop3A_135, %parallel_loop3A_136] {strides = array<i32>} : memref<48x384xi32, #tpu.memory_space<vmem>>, vector<16xi32>,
        tpu.vector_store %arg6[%parallel_loop3A_135, %parallel_loop3A_136], %parallel_loop3A_132 {strides = array<i32>} : memref<48x384xi32, #tpu.memory_space<vmem>>, vector<16xi32>,
        tpu.vector_store_idx %arg14[%parallel_loop3A_132], %broadcast_in_dim3A_99 {add = true} : memref<512xf32, #tpu.memory_space<vmem>>[vector<16xi32>], vector<16xf32>,
      } {sc.loop_unroll_factor = 8 : i64, sc.parallel_access}
    }
    %scan3A_112 = arith.constant 48 : i32
    %scan3A_113 = arith.constant 0 : i32
    %scan3A_114 = arith.constant 0 : i32
    %scan3A_115 = arith.constant 24 : i32
    %scan3A_116 = arith.addi %scan3A_114, %scan3A_115 : i32
    %scan3A_117 = arith.constant 1 : i32
    scf.for %scan3A_119 = %scan3A_114 to %scan3A_116 step %scan3A_117  : i32 {
      %mul3A_120 = arith.constant 3 : i32
      %mul3A_121 = arith.muli %mul3A_120, %scan3A_119 : i32
      %add3A_122 = arith.constant 0 : i32
      %add3A_123 = arith.addi %mul3A_121, %add3A_122 : i32
      %add3A_124 = arith.constant 0 : i32
      %add3A_125 = arith.addi %mul3A_32, %add3A_124 : i32
      %dma_wait3A_126 = arith.constant 0 : i32
      %dma_wait3A_127 = tpu.memref_slice %arg2[%select_n3A, %add3A_123, %add3A_125, %dma_wait3A_126] : memref<4x96x384x384xf32, #tpu.memory_space<hbm>> -> memref<1x1x24x384xf32, #tpu.memory_space<hbm>>
      %dma_wait3A_128 = tpu.memref_squeeze %dma_wait3A_127 : memref<1x1x24x384xf32, #tpu.memory_space<hbm>> -> memref<24x384xf32, #tpu.memory_space<hbm>>
      %dma_wait3A_129 = arith.constant 0 : i32
      %dma_wait3A_130 = tpu.memref_slice %arg2[%select_n3A, %add3A_123, %add3A_125, %dma_wait3A_129] : memref<4x96x384x384xf32, #tpu.memory_space<hbm>> -> memref<1x1x24x384xf32, #tpu.memory_space<hbm>>
      %dma_wait3A_131 = tpu.memref_squeeze %dma_wait3A_130 : memref<1x1x24x384xf32, #tpu.memory_space<hbm>> -> memref<24x384xf32, #tpu.memory_space<hbm>>
      tpu.wait_dma2 semaphore(%arg15 : memref<!tpu.dma_semaphore, #tpu.memory_space<semaphore_mem>>) src(%dma_wait3A_131 : memref<24x384xf32, #tpu.memory_space<hbm>>) dst(%arg7 : memref<24x384xf32, #tpu.memory_space<vmem>>)
      %add3A_132 = arith.constant 1 : i32
      %add3A_133 = arith.addi %mul3A_121, %add3A_132 : i32
      %add3A_134 = arith.constant 0 : i32
      %add3A_135 = arith.addi %mul3A_32, %add3A_134 : i32
      %dma_wait3A_136 = arith.constant 0 : i32
      %dma_wait3A_137 = tpu.memref_slice %arg2[%select_n3A, %add3A_133, %add3A_135, %dma_wait3A_136] : memref<4x96x384x384xf32, #tpu.memory_space<hbm>> -> memref<1x1x24x384xf32, #tpu.memory_space<hbm>>
      %dma_wait3A_138 = tpu.memref_squeeze %dma_wait3A_137 : memref<1x1x24x384xf32, #tpu.memory_space<hbm>> -> memref<24x384xf32, #tpu.memory_space<hbm>>
      %dma_wait3A_139 = arith.constant 0 : i32
      %dma_wait3A_140 = tpu.memref_slice %arg2[%select_n3A, %add3A_133, %add3A_135, %dma_wait3A_139] : memref<4x96x384x384xf32, #tpu.memory_space<hbm>> -> memref<1x1x24x384xf32, #tpu.memory_space<hbm>>
      %dma_wait3A_141 = tpu.memref_squeeze %dma_wait3A_140 : memref<1x1x24x384xf32, #tpu.memory_space<hbm>> -> memref<24x384xf32, #tpu.memory_space<hbm>>
      tpu.wait_dma2 semaphore(%arg15 : memref<!tpu.dma_semaphore, #tpu.memory_space<semaphore_mem>>) src(%dma_wait3A_141 : memref<24x384xf32, #tpu.memory_space<hbm>>) dst(%arg8 : memref<24x384xf32, #tpu.memory_space<vmem>>)
      %add3A_142 = arith.constant 2 : i32
      %add3A_143 = arith.addi %mul3A_121, %add3A_142 : i32
      %add3A_144 = arith.constant 0 : i32
      %add3A_145 = arith.addi %mul3A_32, %add3A_144 : i32
      %dma_wait3A_146 = arith.constant 0 : i32
      %dma_wait3A_147 = tpu.memref_slice %arg2[%select_n3A, %add3A_143, %add3A_145, %dma_wait3A_146] : memref<4x96x384x384xf32, #tpu.memory_space<hbm>> -> memref<1x1x24x384xf32, #tpu.memory_space<hbm>>
      %dma_wait3A_148 = tpu.memref_squeeze %dma_wait3A_147 : memref<1x1x24x384xf32, #tpu.memory_space<hbm>> -> memref<24x384xf32, #tpu.memory_space<hbm>>
      %dma_wait3A_149 = arith.constant 0 : i32
      %dma_wait3A_150 = tpu.memref_slice %arg2[%select_n3A, %add3A_143, %add3A_145, %dma_wait3A_149] : memref<4x96x384x384xf32, #tpu.memory_space<hbm>> -> memref<1x1x24x384xf32, #tpu.memory_space<hbm>>
      %dma_wait3A_151 = tpu.memref_squeeze %dma_wait3A_150 : memref<1x1x24x384xf32, #tpu.memory_space<hbm>> -> memref<24x384xf32, #tpu.memory_space<hbm>>
      tpu.wait_dma2 semaphore(%arg15 : memref<!tpu.dma_semaphore, #tpu.memory_space<semaphore_mem>>) src(%dma_wait3A_151 : memref<24x384xf32, #tpu.memory_space<hbm>>) dst(%arg9 : memref<24x384xf32, #tpu.memory_space<vmem>>)
      %add3A_152 = arith.constant 0 : i32
      %add3A_153 = arith.addi %mul3A_121, %add3A_152 : i32
      %mul3A_154 = arith.constant 512 : i32
      %mul3A_155 = arith.muli %add3A_153, %mul3A_154 : i32
      %add3A_156 = arith.constant 1 : i32
      %add3A_157 = arith.addi %mul3A_121, %add3A_156 : i32
      %mul3A_158 = arith.constant 512 : i32
      %mul3A_159 = arith.muli %add3A_157, %mul3A_158 : i32
      %add3A_160 = arith.constant 2 : i32
      %add3A_161 = arith.addi %mul3A_121, %add3A_160 : i32
      %mul3A_162 = arith.constant 512 : i32
      %mul3A_163 = arith.muli %add3A_161, %mul3A_162 : i32
      %scan3A_164 = arith.constant 0 : i32
      %scan3A_165 = arith.constant 0 : i32
      %scan3A_166 = arith.constant 24 : i32
      %scan3A_167 = arith.addi %scan3A_165, %scan3A_166 : i32
      %scan3A_168 = arith.constant 1 : i32
      scf.for %scan3A_230 = %scan3A_165 to %scan3A_167 step %scan3A_168  : i32 {
        %parallel_loop3A_231 = arith.constant 0 : i32
        %parallel_loop3A_232 = arith.constant 24 : i32
        %parallel_loop3A_233 = arith.constant 1 : i32
        scf.for %parallel_loop3A_234 = %parallel_loop3A_231 to %parallel_loop3A_232 step %parallel_loop3A_233  : i32 {
          %parallel_loop3A_235 = arith.constant 0 : i32
          %parallel_loop3A_236 = arith.addi %scan3A_230, %parallel_loop3A_235 : i32
          %parallel_loop3A_237 = arith.constant 16 : i32
          %parallel_loop3A_238 = arith.muli %parallel_loop3A_234, %parallel_loop3A_237 : i32
          %parallel_loop3A_239 = arith.index_cast %parallel_loop3A_236 : i32 to index
          %parallel_loop3A_240 = arith.index_cast %parallel_loop3A_238 : i32 to index
          %parallel_loop3A_241 = tpu.vector_load %arg6[%parallel_loop3A_239, %parallel_loop3A_240] {strides = array<i32>} : memref<48x384xi32, #tpu.memory_space<vmem>>, vector<16xi32>,
          %parallel_loop3A_242 = arith.constant 16 : i32
          %parallel_loop3A_243 = arith.muli %parallel_loop3A_234, %parallel_loop3A_242 : i32
          %parallel_loop3A_244 = arith.index_cast %scan3A_230 : i32 to index
          %parallel_loop3A_245 = arith.index_cast %parallel_loop3A_243 : i32 to index
          %parallel_loop3A_246 = tpu.vector_load %arg7[%parallel_loop3A_244, %parallel_loop3A_245] {strides = array<i32>} : memref<24x384xf32, #tpu.memory_space<vmem>>, vector<16xf32>,
          %parallel_loop3A_247 = tpu.memref_slice %arg13[%mul3A_155] : memref<36864xf32, #tpu.memory_space<vmem>> -> memref<512xf32, #tpu.memory_space<vmem>>
          tpu.vector_store_idx %parallel_loop3A_247[%parallel_loop3A_241], %parallel_loop3A_246 {add = true} : memref<512xf32, #tpu.memory_space<vmem>>[vector<16xi32>], vector<16xf32>,
          %parallel_loop3A_248 = arith.constant 16 : i32
          %parallel_loop3A_249 = arith.muli %parallel_loop3A_234, %parallel_loop3A_248 : i32
          %parallel_loop3A_250 = arith.index_cast %scan3A_230 : i32 to index
          %parallel_loop3A_251 = arith.index_cast %parallel_loop3A_249 : i32 to index
          %parallel_loop3A_252 = tpu.vector_load %arg8[%parallel_loop3A_250, %parallel_loop3A_251] {strides = array<i32>} : memref<24x384xf32, #tpu.memory_space<vmem>>, vector<16xf32>,
          %parallel_loop3A_253 = tpu.memref_slice %arg13[%mul3A_159] : memref<36864xf32, #tpu.memory_space<vmem>> -> memref<512xf32, #tpu.memory_space<vmem>>
          tpu.vector_store_idx %parallel_loop3A_253[%parallel_loop3A_241], %parallel_loop3A_252 {add = true} : memref<512xf32, #tpu.memory_space<vmem>>[vector<16xi32>], vector<16xf32>,
          %parallel_loop3A_254 = arith.constant 16 : i32
          %parallel_loop3A_255 = arith.muli %parallel_loop3A_234, %parallel_loop3A_254 : i32
          %parallel_loop3A_256 = arith.index_cast %scan3A_230 : i32 to index
          %parallel_loop3A_257 = arith.index_cast %parallel_loop3A_255 : i32 to index
          %parallel_loop3A_258 = tpu.vector_load %arg9[%parallel_loop3A_256, %parallel_loop3A_257] {strides = array<i32>} : memref<24x384xf32, #tpu.memory_space<vmem>>, vector<16xf32>,
          %parallel_loop3A_259 = tpu.memref_slice %arg13[%mul3A_163] : memref<36864xf32, #tpu.memory_space<vmem>> -> memref<512xf32, #tpu.memory_space<vmem>>
          tpu.vector_store_idx %parallel_loop3A_259[%parallel_loop3A_241], %parallel_loop3A_258 {add = true} : memref<512xf32, #tpu.memory_space<vmem>>[vector<16xi32>], vector<16xf32>,
        } {sc.loop_unroll_factor = 4 : i64, sc.parallel_access}
      }
      %scan3A_169 = arith.constant 24 : i32
      %add3A_170 = arith.constant 1 : i32
      %add3A_171 = arith.addi %scan3A_119, %add3A_170 : i32
      %lt3A_172 = arith.constant 24 : i32
      %lt3A_173 = arith.cmpi slt, %add3A_171, %lt3A_172 : i32
      %convert_element_type3A = arith.extui %lt3A_173 : i1 to i32
      %cond3A = arith.constant 0 : i32
      %cond3A_174 = arith.cmpi ne, %convert_element_type3A, %cond3A : i32
      scf.if %cond3A_174 {
        %add3A_230 = arith.constant 3 : i32
        %add3A_231 = arith.addi %mul3A_121, %add3A_230 : i32
        %add3A_232 = arith.constant 0 : i32
        %add3A_233 = arith.addi %add3A_231, %add3A_232 : i32
        %add3A_234 = arith.constant 0 : i32
        %add3A_235 = arith.addi %mul3A_32, %add3A_234 : i32
        %dma_start3A_236 = arith.constant 0 : i32
        %dma_start3A_237 = tpu.memref_slice %arg2[%select_n3A, %add3A_233, %add3A_235, %dma_start3A_236] : memref<4x96x384x384xf32, #tpu.memory_space<hbm>> -> memref<1x1x24x384xf32, #tpu.memory_space<hbm>>
        %dma_start3A_238 = tpu.memref_squeeze %dma_start3A_237 : memref<1x1x24x384xf32, #tpu.memory_space<hbm>> -> memref<24x384xf32, #tpu.memory_space<hbm>>
        %dma_start3A_239 = arith.constant 0 : i32
        %dma_start3A_240 = tpu.memref_slice %arg2[%select_n3A, %add3A_233, %add3A_235, %dma_start3A_239] : memref<4x96x384x384xf32, #tpu.memory_space<hbm>> -> memref<1x1x24x384xf32, #tpu.memory_space<hbm>>
        %dma_start3A_241 = tpu.memref_squeeze %dma_start3A_240 : memref<1x1x24x384xf32, #tpu.memory_space<hbm>> -> memref<24x384xf32, #tpu.memory_space<hbm>>
        tpu.enqueue_dma source(%dma_start3A_241 : memref<24x384xf32, #tpu.memory_space<hbm>>) target(%arg7 : memref<24x384xf32, #tpu.memory_space<vmem>>) target_semaphore(%arg15 : memref<!tpu.dma_semaphore, #tpu.memory_space<semaphore_mem>>)
        %add3A_242 = arith.constant 3 : i32
        %add3A_243 = arith.addi %mul3A_121, %add3A_242 : i32
        %add3A_244 = arith.constant 1 : i32
        %add3A_245 = arith.addi %add3A_243, %add3A_244 : i32
        %add3A_246 = arith.constant 0 : i32
        %add3A_247 = arith.addi %mul3A_32, %add3A_246 : i32
        %dma_start3A_248 = arith.constant 0 : i32
        %dma_start3A_249 = tpu.memref_slice %arg2[%select_n3A, %add3A_245, %add3A_247, %dma_start3A_248] : memref<4x96x384x384xf32, #tpu.memory_space<hbm>> -> memref<1x1x24x384xf32, #tpu.memory_space<hbm>>
        %dma_start3A_250 = tpu.memref_squeeze %dma_start3A_249 : memref<1x1x24x384xf32, #tpu.memory_space<hbm>> -> memref<24x384xf32, #tpu.memory_space<hbm>>
        %dma_start3A_251 = arith.constant 0 : i32
        %dma_start3A_252 = tpu.memref_slice %arg2[%select_n3A, %add3A_245, %add3A_247, %dma_start3A_251] : memref<4x96x384x384xf32, #tpu.memory_space<hbm>> -> memref<1x1x24x384xf32, #tpu.memory_space<hbm>>
        %dma_start3A_253 = tpu.memref_squeeze %dma_start3A_252 : memref<1x1x24x384xf32, #tpu.memory_space<hbm>> -> memref<24x384xf32, #tpu.memory_space<hbm>>
        tpu.enqueue_dma source(%dma_start3A_253 : memref<24x384xf32, #tpu.memory_space<hbm>>) target(%arg8 : memref<24x384xf32, #tpu.memory_space<vmem>>) target_semaphore(%arg15 : memref<!tpu.dma_semaphore, #tpu.memory_space<semaphore_mem>>)
        %add3A_254 = arith.constant 3 : i32
        %add3A_255 = arith.addi %mul3A_121, %add3A_254 : i32
        %add3A_256 = arith.constant 2 : i32
        %add3A_257 = arith.addi %add3A_255, %add3A_256 : i32
        %add3A_258 = arith.constant 0 : i32
        %add3A_259 = arith.addi %mul3A_32, %add3A_258 : i32
        %dma_start3A_260 = arith.constant 0 : i32
        %dma_start3A_261 = tpu.memref_slice %arg2[%select_n3A, %add3A_257, %add3A_259, %dma_start3A_260] : memref<4x96x384x384xf32, #tpu.memory_space<hbm>> -> memref<1x1x24x384xf32, #tpu.memory_space<hbm>>
        %dma_start3A_262 = tpu.memref_squeeze %dma_start3A_261 : memref<1x1x24x384xf32, #tpu.memory_space<hbm>> -> memref<24x384xf32, #tpu.memory_space<hbm>>
        %dma_start3A_263 = arith.constant 0 : i32
        %dma_start3A_264 = tpu.memref_slice %arg2[%select_n3A, %add3A_257, %add3A_259, %dma_start3A_263] : memref<4x96x384x384xf32, #tpu.memory_space<hbm>> -> memref<1x1x24x384xf32, #tpu.memory_space<hbm>>
        %dma_start3A_265 = tpu.memref_squeeze %dma_start3A_264 : memref<1x1x24x384xf32, #tpu.memory_space<hbm>> -> memref<24x384xf32, #tpu.memory_space<hbm>>
        tpu.enqueue_dma source(%dma_start3A_265 : memref<24x384xf32, #tpu.memory_space<hbm>>) target(%arg9 : memref<24x384xf32, #tpu.memory_space<vmem>>) target_semaphore(%arg15 : memref<!tpu.dma_semaphore, #tpu.memory_space<semaphore_mem>>)
      } else {
      }
      %add3A_175 = arith.constant 0 : i32
      %add3A_176 = arith.addi %mul3A_121, %add3A_175 : i32
      %add3A_177 = arith.constant 24 : i32
      %add3A_178 = arith.addi %mul3A_32, %add3A_177 : i32
      %dma_wait3A_179 = arith.constant 0 : i32
      %dma_wait3A_180 = tpu.memref_slice %arg2[%select_n3A, %add3A_176, %add3A_178, %dma_wait3A_179] : memref<4x96x384x384xf32, #tpu.memory_space<hbm>> -> memref<1x1x24x384xf32, #tpu.memory_space<hbm>>
      %dma_wait3A_181 = tpu.memref_squeeze %dma_wait3A_180 : memref<1x1x24x384xf32, #tpu.memory_space<hbm>> -> memref<24x384xf32, #tpu.memory_space<hbm>>
      %dma_wait3A_182 = arith.constant 0 : i32
      %dma_wait3A_183 = tpu.memref_slice %arg2[%select_n3A, %add3A_176, %add3A_178, %dma_wait3A_182] : memref<4x96x384x384xf32, #tpu.memory_space<hbm>> -> memref<1x1x24x384xf32, #tpu.memory_space<hbm>>
      %dma_wait3A_184 = tpu.memref_squeeze %dma_wait3A_183 : memref<1x1x24x384xf32, #tpu.memory_space<hbm>> -> memref<24x384xf32, #tpu.memory_space<hbm>>
      tpu.wait_dma2 semaphore(%arg16 : memref<!tpu.dma_semaphore, #tpu.memory_space<semaphore_mem>>) src(%dma_wait3A_184 : memref<24x384xf32, #tpu.memory_space<hbm>>) dst(%arg10 : memref<24x384xf32, #tpu.memory_space<vmem>>)
      %add3A_185 = arith.constant 1 : i32
      %add3A_186 = arith.addi %mul3A_121, %add3A_185 : i32
      %add3A_187 = arith.constant 24 : i32
      %add3A_188 = arith.addi %mul3A_32, %add3A_187 : i32
      %dma_wait3A_189 = arith.constant 0 : i32
      %dma_wait3A_190 = tpu.memref_slice %arg2[%select_n3A, %add3A_186, %add3A_188, %dma_wait3A_189] : memref<4x96x384x384xf32, #tpu.memory_space<hbm>> -> memref<1x1x24x384xf32, #tpu.memory_space<hbm>>
      %dma_wait3A_191 = tpu.memref_squeeze %dma_wait3A_190 : memref<1x1x24x384xf32, #tpu.memory_space<hbm>> -> memref<24x384xf32, #tpu.memory_space<hbm>>
      %dma_wait3A_192 = arith.constant 0 : i32
      %dma_wait3A_193 = tpu.memref_slice %arg2[%select_n3A, %add3A_186, %add3A_188, %dma_wait3A_192] : memref<4x96x384x384xf32, #tpu.memory_space<hbm>> -> memref<1x1x24x384xf32, #tpu.memory_space<hbm>>
      %dma_wait3A_194 = tpu.memref_squeeze %dma_wait3A_193 : memref<1x1x24x384xf32, #tpu.memory_space<hbm>> -> memref<24x384xf32, #tpu.memory_space<hbm>>
      tpu.wait_dma2 semaphore(%arg16 : memref<!tpu.dma_semaphore, #tpu.memory_space<semaphore_mem>>) src(%dma_wait3A_194 : memref<24x384xf32, #tpu.memory_space<hbm>>) dst(%arg11 : memref<24x384xf32, #tpu.memory_space<vmem>>)
      %add3A_195 = arith.constant 2 : i32
      %add3A_196 = arith.addi %mul3A_121, %add3A_195 : i32
      %add3A_197 = arith.constant 24 : i32
      %add3A_198 = arith.addi %mul3A_32, %add3A_197 : i32
      %dma_wait3A_199 = arith.constant 0 : i32
      %dma_wait3A_200 = tpu.memref_slice %arg2[%select_n3A, %add3A_196, %add3A_198, %dma_wait3A_199] : memref<4x96x384x384xf32, #tpu.memory_space<hbm>> -> memref<1x1x24x384xf32, #tpu.memory_space<hbm>>
      %dma_wait3A_201 = tpu.memref_squeeze %dma_wait3A_200 : memref<1x1x24x384xf32, #tpu.memory_space<hbm>> -> memref<24x384xf32, #tpu.memory_space<hbm>>
      %dma_wait3A_202 = arith.constant 0 : i32
      %dma_wait3A_203 = tpu.memref_slice %arg2[%select_n3A, %add3A_196, %add3A_198, %dma_wait3A_202] : memref<4x96x384x384xf32, #tpu.memory_space<hbm>> -> memref<1x1x24x384xf32, #tpu.memory_space<hbm>>
      %dma_wait3A_204 = tpu.memref_squeeze %dma_wait3A_203 : memref<1x1x24x384xf32, #tpu.memory_space<hbm>> -> memref<24x384xf32, #tpu.memory_space<hbm>>
      tpu.wait_dma2 semaphore(%arg16 : memref<!tpu.dma_semaphore, #tpu.memory_space<semaphore_mem>>) src(%dma_wait3A_204 : memref<24x384xf32, #tpu.memory_space<hbm>>) dst(%arg12 : memref<24x384xf32, #tpu.memory_space<vmem>>)
      %add3A_205 = arith.constant 0 : i32
      %add3A_206 = arith.addi %mul3A_121, %add3A_205 : i32
      %mul3A_207 = arith.constant 512 : i32
      %mul3A_208 = arith.muli %add3A_206, %mul3A_207 : i32
      %add3A_209 = arith.constant 1 : i32
      %add3A_210 = arith.addi %mul3A_121, %add3A_209 : i32
      %mul3A_211 = arith.constant 512 : i32
      %mul3A_212 = arith.muli %add3A_210, %mul3A_211 : i32
      %add3A_213 = arith.constant 2 : i32
      %add3A_214 = arith.addi %mul3A_121, %add3A_213 : i32
      %mul3A_215 = arith.constant 512 : i32
      %mul3A_216 = arith.muli %add3A_214, %mul3A_215 : i32
      %scan3A_217 = arith.constant 0 : i32
      %scan3A_218 = arith.constant 0 : i32
      %scan3A_219 = arith.constant 24 : i32
      %scan3A_220 = arith.addi %scan3A_218, %scan3A_219 : i32
      %scan3A_221 = arith.constant 1 : i32
      scf.for %scan3A_230 = %scan3A_218 to %scan3A_220 step %scan3A_221  : i32 {
        %parallel_loop3A_231 = arith.constant 0 : i32
        %parallel_loop3A_232 = arith.constant 24 : i32
        %parallel_loop3A_233 = arith.constant 1 : i32
        scf.for %parallel_loop3A_234 = %parallel_loop3A_231 to %parallel_loop3A_232 step %parallel_loop3A_233  : i32 {
          %parallel_loop3A_235 = arith.constant 24 : i32
          %parallel_loop3A_236 = arith.addi %scan3A_230, %parallel_loop3A_235 : i32
          %parallel_loop3A_237 = arith.constant 16 : i32
          %parallel_loop3A_238 = arith.muli %parallel_loop3A_234, %parallel_loop3A_237 : i32
          %parallel_loop3A_239 = arith.index_cast %parallel_loop3A_236 : i32 to index
          %parallel_loop3A_240 = arith.index_cast %parallel_loop3A_238 : i32 to index
          %parallel_loop3A_241 = tpu.vector_load %arg6[%parallel_loop3A_239, %parallel_loop3A_240] {strides = array<i32>} : memref<48x384xi32, #tpu.memory_space<vmem>>, vector<16xi32>,
          %parallel_loop3A_242 = arith.constant 16 : i32
          %parallel_loop3A_243 = arith.muli %parallel_loop3A_234, %parallel_loop3A_242 : i32
          %parallel_loop3A_244 = arith.index_cast %scan3A_230 : i32 to index
          %parallel_loop3A_245 = arith.index_cast %parallel_loop3A_243 : i32 to index
          %parallel_loop3A_246 = tpu.vector_load %arg10[%parallel_loop3A_244, %parallel_loop3A_245] {strides = array<i32>} : memref<24x384xf32, #tpu.memory_space<vmem>>, vector<16xf32>,
          %parallel_loop3A_247 = tpu.memref_slice %arg13[%mul3A_208] : memref<36864xf32, #tpu.memory_space<vmem>> -> memref<512xf32, #tpu.memory_space<vmem>>
          tpu.vector_store_idx %parallel_loop3A_247[%parallel_loop3A_241], %parallel_loop3A_246 {add = true} : memref<512xf32, #tpu.memory_space<vmem>>[vector<16xi32>], vector<16xf32>,
          %parallel_loop3A_248 = arith.constant 16 : i32
          %parallel_loop3A_249 = arith.muli %parallel_loop3A_234, %parallel_loop3A_248 : i32
          %parallel_loop3A_250 = arith.index_cast %scan3A_230 : i32 to index
          %parallel_loop3A_251 = arith.index_cast %parallel_loop3A_249 : i32 to index
          %parallel_loop3A_252 = tpu.vector_load %arg11[%parallel_loop3A_250, %parallel_loop3A_251] {strides = array<i32>} : memref<24x384xf32, #tpu.memory_space<vmem>>, vector<16xf32>,
          %parallel_loop3A_253 = tpu.memref_slice %arg13[%mul3A_212] : memref<36864xf32, #tpu.memory_space<vmem>> -> memref<512xf32, #tpu.memory_space<vmem>>
          tpu.vector_store_idx %parallel_loop3A_253[%parallel_loop3A_241], %parallel_loop3A_252 {add = true} : memref<512xf32, #tpu.memory_space<vmem>>[vector<16xi32>], vector<16xf32>,
          %parallel_loop3A_254 = arith.constant 16 : i32
          %parallel_loop3A_255 = arith.muli %parallel_loop3A_234, %parallel_loop3A_254 : i32
          %parallel_loop3A_256 = arith.index_cast %scan3A_230 : i32 to index
          %parallel_loop3A_257 = arith.index_cast %parallel_loop3A_255 : i32 to index
          %parallel_loop3A_258 = tpu.vector_load %arg12[%parallel_loop3A_256, %parallel_loop3A_257] {strides = array<i32>} : memref<24x384xf32, #tpu.memory_space<vmem>>, vector<16xf32>,
          %parallel_loop3A_259 = tpu.memref_slice %arg13[%mul3A_216] : memref<36864xf32, #tpu.memory_space<vmem>> -> memref<512xf32, #tpu.memory_space<vmem>>
          tpu.vector_store_idx %parallel_loop3A_259[%parallel_loop3A_241], %parallel_loop3A_258 {add = true} : memref<512xf32, #tpu.memory_space<vmem>>[vector<16xi32>], vector<16xf32>,
        } {sc.loop_unroll_factor = 4 : i64, sc.parallel_access}
      }
      %scan3A_222 = arith.constant 24 : i32
      %add3A_223 = arith.constant 1 : i32
      %add3A_224 = arith.addi %scan3A_119, %add3A_223 : i32
      %lt3A_225 = arith.constant 24 : i32
      %lt3A_226 = arith.cmpi slt, %add3A_224, %lt3A_225 : i32
      %convert_element_type3A_227 = arith.extui %lt3A_226 : i1 to i32
      %cond3A_228 = arith.constant 0 : i32
      %cond3A_229 = arith.cmpi ne, %convert_element_type3A_227, %cond3A_228 : i32
      scf.if %cond3A_229 {
        %add3A_230 = arith.constant 3 : i32
        %add3A_231 = arith.addi %mul3A_121, %add3A_230 : i32
        %add3A_232 = arith.constant 0 : i32
        %add3A_233 = arith.addi %add3A_231, %add3A_232 : i32
        %add3A_234 = arith.constant 24 : i32
        %add3A_235 = arith.addi %mul3A_32, %add3A_234 : i32
        %dma_start3A_236 = arith.constant 0 : i32
        %dma_start3A_237 = tpu.memref_slice %arg2[%select_n3A, %add3A_233, %add3A_235, %dma_start3A_236] : memref<4x96x384x384xf32, #tpu.memory_space<hbm>> -> memref<1x1x24x384xf32, #tpu.memory_space<hbm>>
        %dma_start3A_238 = tpu.memref_squeeze %dma_start3A_237 : memref<1x1x24x384xf32, #tpu.memory_space<hbm>> -> memref<24x384xf32, #tpu.memory_space<hbm>>
        %dma_start3A_239 = arith.constant 0 : i32
        %dma_start3A_240 = tpu.memref_slice %arg2[%select_n3A, %add3A_233, %add3A_235, %dma_start3A_239] : memref<4x96x384x384xf32, #tpu.memory_space<hbm>> -> memref<1x1x24x384xf32, #tpu.memory_space<hbm>>
        %dma_start3A_241 = tpu.memref_squeeze %dma_start3A_240 : memref<1x1x24x384xf32, #tpu.memory_space<hbm>> -> memref<24x384xf32, #tpu.memory_space<hbm>>
        tpu.enqueue_dma source(%dma_start3A_241 : memref<24x384xf32, #tpu.memory_space<hbm>>) target(%arg10 : memref<24x384xf32, #tpu.memory_space<vmem>>) target_semaphore(%arg16 : memref<!tpu.dma_semaphore, #tpu.memory_space<semaphore_mem>>)
        %add3A_242 = arith.constant 3 : i32
        %add3A_243 = arith.addi %mul3A_121, %add3A_242 : i32
        %add3A_244 = arith.constant 1 : i32
        %add3A_245 = arith.addi %add3A_243, %add3A_244 : i32
        %add3A_246 = arith.constant 24 : i32
        %add3A_247 = arith.addi %mul3A_32, %add3A_246 : i32
        %dma_start3A_248 = arith.constant 0 : i32
        %dma_start3A_249 = tpu.memref_slice %arg2[%select_n3A, %add3A_245, %add3A_247, %dma_start3A_248] : memref<4x96x384x384xf32, #tpu.memory_space<hbm>> -> memref<1x1x24x384xf32, #tpu.memory_space<hbm>>
        %dma_start3A_250 = tpu.memref_squeeze %dma_start3A_249 : memref<1x1x24x384xf32, #tpu.memory_space<hbm>> -> memref<24x384xf32, #tpu.memory_space<hbm>>
        %dma_start3A_251 = arith.constant 0 : i32
        %dma_start3A_252 = tpu.memref_slice %arg2[%select_n3A, %add3A_245, %add3A_247, %dma_start3A_251] : memref<4x96x384x384xf32, #tpu.memory_space<hbm>> -> memref<1x1x24x384xf32, #tpu.memory_space<hbm>>
        %dma_start3A_253 = tpu.memref_squeeze %dma_start3A_252 : memref<1x1x24x384xf32, #tpu.memory_space<hbm>> -> memref<24x384xf32, #tpu.memory_space<hbm>>
        tpu.enqueue_dma source(%dma_start3A_253 : memref<24x384xf32, #tpu.memory_space<hbm>>) target(%arg11 : memref<24x384xf32, #tpu.memory_space<vmem>>) target_semaphore(%arg16 : memref<!tpu.dma_semaphore, #tpu.memory_space<semaphore_mem>>)
        %add3A_254 = arith.constant 3 : i32
        %add3A_255 = arith.addi %mul3A_121, %add3A_254 : i32
        %add3A_256 = arith.constant 2 : i32
        %add3A_257 = arith.addi %add3A_255, %add3A_256 : i32
        %add3A_258 = arith.constant 24 : i32
        %add3A_259 = arith.addi %mul3A_32, %add3A_258 : i32
        %dma_start3A_260 = arith.constant 0 : i32
        %dma_start3A_261 = tpu.memref_slice %arg2[%select_n3A, %add3A_257, %add3A_259, %dma_start3A_260] : memref<4x96x384x384xf32, #tpu.memory_space<hbm>> -> memref<1x1x24x384xf32, #tpu.memory_space<hbm>>
        %dma_start3A_262 = tpu.memref_squeeze %dma_start3A_261 : memref<1x1x24x384xf32, #tpu.memory_space<hbm>> -> memref<24x384xf32, #tpu.memory_space<hbm>>
        %dma_start3A_263 = arith.constant 0 : i32
        %dma_start3A_264 = tpu.memref_slice %arg2[%select_n3A, %add3A_257, %add3A_259, %dma_start3A_263] : memref<4x96x384x384xf32, #tpu.memory_space<hbm>> -> memref<1x1x24x384xf32, #tpu.memory_space<hbm>>
        %dma_start3A_265 = tpu.memref_squeeze %dma_start3A_264 : memref<1x1x24x384xf32, #tpu.memory_space<hbm>> -> memref<24x384xf32, #tpu.memory_space<hbm>>
        tpu.enqueue_dma source(%dma_start3A_265 : memref<24x384xf32, #tpu.memory_space<hbm>>) target(%arg12 : memref<24x384xf32, #tpu.memory_space<vmem>>) target_semaphore(%arg16 : memref<!tpu.dma_semaphore, #tpu.memory_space<semaphore_mem>>)
      } else {
      }
    }
    %scan3A_118 = arith.constant 24 : i32
    "tpu.region"() ({
      %run_scoped3A = tpu.sem_alloc : memref<!tpu.dma_semaphore, #tpu.memory_space<semaphore_mem>>
      %dma_start3A_119 = arith.constant 0 : i32
      %dma_start3A_120 = tpu.memref_slice %arg4[%add3A, %dma_start3A_119] : memref<32x36864xf32, #tpu.memory_space<hbm>> -> memref<1x36864xf32, #tpu.memory_space<hbm>>
      %dma_start3A_121 = tpu.memref_squeeze %dma_start3A_120 : memref<1x36864xf32, #tpu.memory_space<hbm>> -> memref<36864xf32, #tpu.memory_space<hbm>>
      %dma_start3A_122 = arith.constant 0 : i32
      %dma_start3A_123 = tpu.memref_slice %arg4[%add3A, %dma_start3A_122] : memref<32x36864xf32, #tpu.memory_space<hbm>> -> memref<1x36864xf32, #tpu.memory_space<hbm>>
      %dma_start3A_124 = tpu.memref_squeeze %dma_start3A_123 : memref<1x36864xf32, #tpu.memory_space<hbm>> -> memref<36864xf32, #tpu.memory_space<hbm>>
      tpu.enqueue_dma source(%arg13 : memref<36864xf32, #tpu.memory_space<vmem>>) target(%dma_start3A_124 : memref<36864xf32, #tpu.memory_space<hbm>>) target_semaphore(%run_scoped3A : memref<!tpu.dma_semaphore, #tpu.memory_space<semaphore_mem>>)
      %dma_wait3A_125 = arith.constant 0 : i32
      %dma_wait3A_126 = tpu.memref_slice %arg4[%add3A, %dma_wait3A_125] : memref<32x36864xf32, #tpu.memory_space<hbm>> -> memref<1x36864xf32, #tpu.memory_space<hbm>>
      %dma_wait3A_127 = tpu.memref_squeeze %dma_wait3A_126 : memref<1x36864xf32, #tpu.memory_space<hbm>> -> memref<36864xf32, #tpu.memory_space<hbm>>
      %dma_wait3A_128 = arith.constant 0 : i32
      %dma_wait3A_129 = tpu.memref_slice %arg4[%add3A, %dma_wait3A_128] : memref<32x36864xf32, #tpu.memory_space<hbm>> -> memref<1x36864xf32, #tpu.memory_space<hbm>>
      %dma_wait3A_130 = tpu.memref_squeeze %dma_wait3A_129 : memref<1x36864xf32, #tpu.memory_space<hbm>> -> memref<36864xf32, #tpu.memory_space<hbm>>
      tpu.wait_dma2 semaphore(%run_scoped3A : memref<!tpu.dma_semaphore, #tpu.memory_space<semaphore_mem>>) src(%arg13 : memref<36864xf32, #tpu.memory_space<vmem>>) dst(%dma_wait3A_130 : memref<36864xf32, #tpu.memory_space<hbm>>)
      tpu.yield
    }) : () -> ()
    "tpu.region"() ({
      %run_scoped3A = tpu.sem_alloc : memref<!tpu.dma_semaphore, #tpu.memory_space<semaphore_mem>>
      %dma_start3A_119 = arith.constant 0 : i32
      %dma_start3A_120 = tpu.memref_slice %arg5[%add3A, %dma_start3A_119] : memref<32x512xf32, #tpu.memory_space<hbm>> -> memref<1x512xf32, #tpu.memory_space<hbm>>
      %dma_start3A_121 = tpu.memref_squeeze %dma_start3A_120 : memref<1x512xf32, #tpu.memory_space<hbm>> -> memref<512xf32, #tpu.memory_space<hbm>>
      %dma_start3A_122 = arith.constant 0 : i32
      %dma_start3A_123 = tpu.memref_slice %arg5[%add3A, %dma_start3A_122] : memref<32x512xf32, #tpu.memory_space<hbm>> -> memref<1x512xf32, #tpu.memory_space<hbm>>
      %dma_start3A_124 = tpu.memref_squeeze %dma_start3A_123 : memref<1x512xf32, #tpu.memory_space<hbm>> -> memref<512xf32, #tpu.memory_space<hbm>>
      tpu.enqueue_dma source(%arg14 : memref<512xf32, #tpu.memory_space<vmem>>) target(%dma_start3A_124 : memref<512xf32, #tpu.memory_space<hbm>>) target_semaphore(%run_scoped3A : memref<!tpu.dma_semaphore, #tpu.memory_space<semaphore_mem>>)
      %dma_wait3A_125 = arith.constant 0 : i32
      %dma_wait3A_126 = tpu.memref_slice %arg5[%add3A, %dma_wait3A_125] : memref<32x512xf32, #tpu.memory_space<hbm>> -> memref<1x512xf32, #tpu.memory_space<hbm>>
      %dma_wait3A_127 = tpu.memref_squeeze %dma_wait3A_126 : memref<1x512xf32, #tpu.memory_space<hbm>> -> memref<512xf32, #tpu.memory_space<hbm>>
      %dma_wait3A_128 = arith.constant 0 : i32
      %dma_wait3A_129 = tpu.memref_slice %arg5[%add3A, %dma_wait3A_128] : memref<32x512xf32, #tpu.memory_space<hbm>> -> memref<1x512xf32, #tpu.memory_space<hbm>>
      %dma_wait3A_130 = tpu.memref_squeeze %dma_wait3A_129 : memref<1x512xf32, #tpu.memory_space<hbm>> -> memref<512xf32, #tpu.memory_space<hbm>>
      tpu.wait_dma2 semaphore(%run_scoped3A : memref<!tpu.dma_semaphore, #tpu.memory_space<semaphore_mem>>) src(%arg14 : memref<512xf32, #tpu.memory_space<vmem>>) dst(%dma_wait3A_130 : memref<512xf32, #tpu.memory_space<hbm>>)
      tpu.yield
    }) : () -> ()
    return
  }
}

module attributes {stable_mosaic.version = 14 : i64} {
  func.func @body(%arg0: i32, %arg1: memref<1x8x72x512xf32, #tpu.memory_space<vmem>>, %arg2: memref<1x8x512xf32, #tpu.memory_space<vmem>>, %arg3: memref<1x32x24xf32, #tpu.memory_space<vmem>>, %arg4: memref<1x32x96xf32, #tpu.memory_space<vmem>>, %arg5: memref<1x32x32xf32, #tpu.memory_space<vmem>>) attributes {dimension_semantics = [#tpu.dimension_semantics<arbitrary>], iteration_bounds = array<i64: 4>, scalar_prefetch = 0 : i64, scratch_operands = 0 : i64, tpu.core_type = #tpu.core_type<tc>, window_params = [{transform_indices = @transform_0, window_bounds = array<i64: 1, 8, 72, 512>}, {transform_indices = @transform_1, window_bounds = array<i64: 1, 8, 512>}, {transform_indices = @transform_2, window_bounds = array<i64: 1, 32, 24>}, {transform_indices = @transform_3, window_bounds = array<i64: 1, 32, 96>}, {transform_indices = @transform_4, window_bounds = array<i64: 1, 32, 32>}]} {
    %get3A = arith.constant 0 : index
    %get3A_0 = arith.constant 0 : index
    %get3A_1 = arith.constant 0 : index
    %get3A_2 = arith.constant 0 : index
    %get3A_3 = vector.load %arg1[%get3A, %get3A_0, %get3A_1, %get3A_2] : memref<1x8x72x512xf32, #tpu.memory_space<vmem>>, vector<1x8x72x512xf32>
    %get3A_4 = vector.shape_cast %get3A_3 : vector<1x8x72x512xf32> to vector<8x72x512xf32>
    %reduce_sum3A = arith.constant dense<0.000000e+00> : vector<72x512xf32>
    %reduce_sum3A_5 = vector.multi_reduction <add>, %get3A_4, %reduce_sum3A [0] : vector<8x72x512xf32> to vector<72x512xf32>
    %get3A_6 = arith.constant 0 : index
    %get3A_7 = arith.constant 0 : index
    %get3A_8 = arith.constant 0 : index
    %get3A_9 = vector.load %arg2[%get3A_6, %get3A_7, %get3A_8] : memref<1x8x512xf32, #tpu.memory_space<vmem>>, vector<1x8x512xf32>
    %get3A_10 = vector.shape_cast %get3A_9 : vector<1x8x512xf32> to vector<8x512xf32>
    %reduce_sum3A_11 = arith.constant dense<0.000000e+00> : vector<512xf32>
    %reduce_sum3A_12 = vector.multi_reduction <add>, %get3A_10, %reduce_sum3A_11 [0] : vector<8x512xf32> to vector<512xf32>
    %iota3A = tpu.iota {dimensions = array<i32: 0>} : vector<512x32xi32>
    %jit3A = arith.constant 16 : i32
    %div3A = vector.broadcast %jit3A : i32 to vector<512x32xi32>
    %div3A_13 = arith.divsi %iota3A, %div3A : vector<512x32xi32>
    %sign3A = arith.constant 0 : i32
    %sign3A_14 = vector.broadcast %sign3A : i32 to vector<512x32xi32>
    %sign3A_15 = arith.cmpi sgt, %iota3A, %sign3A_14 : vector<512x32xi32>
    %sign3A_16 = arith.extui %sign3A_15 : vector<512x32xi1> to vector<512x32xi32>
    %sign3A_17 = arith.constant 0 : i32
    %sign3A_18 = vector.broadcast %sign3A_17 : i32 to vector<512x32xi32>
    %sign3A_19 = arith.cmpi slt, %iota3A, %sign3A_18 : vector<512x32xi32>
    %sign3A_20 = arith.extui %sign3A_19 : vector<512x32xi1> to vector<512x32xi32>
    %sign3A_21 = arith.subi %sign3A_16, %sign3A_20 : vector<512x32xi32>
    %sign3A_22 = arith.constant 0 : i32
    %sign3A_23 = arith.cmpi sgt, %jit3A, %sign3A_22 : i32
    %sign3A_24 = arith.extui %sign3A_23 : i1 to i32
    %sign3A_25 = arith.constant 0 : i32
    %sign3A_26 = arith.cmpi slt, %jit3A, %sign3A_25 : i32
    %sign3A_27 = arith.extui %sign3A_26 : i1 to i32
    %sign3A_28 = arith.subi %sign3A_24, %sign3A_27 : i32
    %ne3A = vector.broadcast %sign3A_28 : i32 to vector<512x32xi32>
    %ne3A_29 = arith.cmpi ne, %sign3A_21, %ne3A : vector<512x32xi32>
    %rem3A = vector.broadcast %jit3A : i32 to vector<512x32xi32>
    %rem3A_30 = arith.remsi %iota3A, %rem3A : vector<512x32xi32>
    %ne3A_31 = arith.constant 0 : i32
    %ne3A_32 = vector.broadcast %ne3A_31 : i32 to vector<512x32xi32>
    %ne3A_33 = arith.cmpi ne, %rem3A_30, %ne3A_32 : vector<512x32xi32>
    %and3A = arith.andi %ne3A_29, %ne3A_33 : vector<512x32xi1>
    %sub3A = arith.constant 1 : i32
    %sub3A_34 = vector.broadcast %sub3A : i32 to vector<512x32xi32>
    %sub3A_35 = arith.subi %div3A_13, %sub3A_34 : vector<512x32xi32>
    %select_n3A = arith.select %and3A, %sub3A_35, %div3A_13 : vector<512x32xi1>, vector<512x32xi32>
    %iota3A_36 = tpu.iota {dimensions = array<i32: 1>} : vector<512x32xi32>
    %eq3A = arith.cmpi eq, %select_n3A, %iota3A_36 : vector<512x32xi32>
    %convert_element_type3A = arith.extui %eq3A : vector<512x32xi1> to vector<512x32xi32>
    %convert_element_type3A_37 = arith.sitofp %convert_element_type3A : vector<512x32xi32> to vector<512x32xf32>
    %dot_general3A = arith.constant dense<0.000000e+00> : vector<32x72xf32>
    %dot_general3A_38 = tpu.matmul %convert_element_type3A_37, %reduce_sum3A_5, %dot_general3A {dimension_numbers = #tpu.dot_dimension_numbers<[0], [1], [1], [0], [0, 1, 1, 0], [], []>, precision = #tpu.contract_precision<fp32>, transpose_lhs_hint = false} : vector<512x32xf32>, vector<72x512xf32>, vector<32x72xf32> -> vector<32x72xf32>
    %broadcast_in_dim3A = vector.shape_cast %reduce_sum3A_12 : vector<512xf32> to vector<1x512xf32>
    %dot_general3A_39 = arith.constant dense<0.000000e+00> : vector<32x1xf32>
    %dot_general3A_40 = tpu.matmul %convert_element_type3A_37, %broadcast_in_dim3A, %dot_general3A_39 {dimension_numbers = #tpu.dot_dimension_numbers<[0], [1], [1], [0], [0, 1, 1, 0], [], []>, precision = #tpu.contract_precision<fp32>, transpose_lhs_hint = false} : vector<512x32xf32>, vector<1x512xf32>, vector<32x1xf32> -> vector<32x1xf32>
    %max3A = arith.constant 1.000000e+00 : f32
    %max3A_41 = vector.broadcast %max3A : f32 to vector<32x1xf32>
    %max3A_42 = arith.maximumf %dot_general3A_40, %max3A_41 : vector<32x1xf32>
    %div3A_43 = arith.constant 1.000000e+00 : f32
    %div3A_44 = vector.broadcast %div3A_43 : f32 to vector<32x1xf32>
    %div3A_45 = arith.divf %div3A_44, %max3A_42 : vector<32x1xf32>
    %mul3A = vector.broadcast %div3A_45 : vector<32x1xf32> to vector<32x72xf32>
    %mul3A_46 = arith.mulf %dot_general3A_38, %mul3A : vector<32x72xf32>
    %get3A_47 = arith.constant 0 : index
    %get3A_48 = arith.constant 0 : index
    %get3A_49 = arith.constant 0 : index
    %get3A_50 = vector.load %arg3[%get3A_47, %get3A_48, %get3A_49] : memref<1x32x24xf32, #tpu.memory_space<vmem>>, vector<1x32x24xf32>
    %get3A_51 = vector.shape_cast %get3A_50 : vector<1x32x24xf32> to vector<32x24xf32>
    %mul3A_52 = vector.broadcast %div3A_45 : vector<32x1xf32> to vector<32x24xf32>
    %mul3A_53 = arith.mulf %get3A_51, %mul3A_52 : vector<32x24xf32>
    %swap3A = arith.constant 0 : index
    %swap3A_54 = arith.constant 0 : index
    %swap3A_55 = arith.constant 0 : index
    %swap3A_56 = vector.load %arg4[%swap3A, %swap3A_54, %swap3A_55] : memref<1x32x96xf32, #tpu.memory_space<vmem>>, vector<1x32x72xf32>
    %swap3A_57 = vector.shape_cast %swap3A_56 : vector<1x32x72xf32> to vector<32x72xf32>
    %swap3A_58 = vector.shape_cast %mul3A_46 : vector<32x72xf32> to vector<1x32x72xf32>
    tpu.vector_store %arg4[%swap3A, %swap3A_54, %swap3A_55], %swap3A_58 {strides = array<i32>} : memref<1x32x96xf32, #tpu.memory_space<vmem>>, vector<1x32x72xf32>,
    %swap3A_59 = arith.constant 0 : index
    %swap3A_60 = arith.constant 0 : index
    %swap3A_61 = arith.constant 72 : index
    %swap3A_62 = vector.load %arg4[%swap3A_59, %swap3A_60, %swap3A_61] : memref<1x32x96xf32, #tpu.memory_space<vmem>>, vector<1x32x24xf32>
    %swap3A_63 = vector.shape_cast %swap3A_62 : vector<1x32x24xf32> to vector<32x24xf32>
    %swap3A_64 = vector.shape_cast %mul3A_53 : vector<32x24xf32> to vector<1x32x24xf32>
    tpu.vector_store %arg4[%swap3A_59, %swap3A_60, %swap3A_61], %swap3A_64 {strides = array<i32>} : memref<1x32x96xf32, #tpu.memory_space<vmem>>, vector<1x32x24xf32>,
    %dot_general3A_65 = arith.constant dense<0.000000e+00> : vector<32x32xf32>
    %dot_general3A_66 = tpu.matmul %mul3A_46, %mul3A_46, %dot_general3A_65 {dimension_numbers = #tpu.dot_dimension_numbers<[1], [1], [0], [0], [0, 0, 1, 0], [], []>, precision = #tpu.contract_precision<fp32>, transpose_lhs_hint = false} : vector<32x72xf32>, vector<32x72xf32>, vector<32x32xf32> -> vector<32x32xf32>
    %dot_general3A_67 = arith.constant dense<0.000000e+00> : vector<32x32xf32>
    %dot_general3A_68 = tpu.matmul %mul3A_53, %mul3A_53, %dot_general3A_67 {dimension_numbers = #tpu.dot_dimension_numbers<[1], [1], [0], [0], [0, 0, 1, 0], [], []>, precision = #tpu.contract_precision<fp32>, transpose_lhs_hint = false} : vector<32x24xf32>, vector<32x24xf32>, vector<32x32xf32> -> vector<32x32xf32>
    %add3A = arith.addf %dot_general3A_66, %dot_general3A_68 : vector<32x32xf32>
    %mul3A_69 = arith.mulf %mul3A_46, %mul3A_46 : vector<32x72xf32>
    %reduce_sum3A_70 = arith.constant dense<0.000000e+00> : vector<32xf32>
    %reduce_sum3A_71 = vector.multi_reduction <add>, %mul3A_69, %reduce_sum3A_70 [1] : vector<32x72xf32> to vector<32xf32>
    %mul3A_72 = arith.mulf %mul3A_53, %mul3A_53 : vector<32x24xf32>
    %reduce_sum3A_73 = arith.constant dense<0.000000e+00> : vector<32xf32>
    %reduce_sum3A_74 = vector.multi_reduction <add>, %mul3A_72, %reduce_sum3A_73 [1] : vector<32x24xf32> to vector<32xf32>
    %add3A_75 = arith.addf %reduce_sum3A_71, %reduce_sum3A_74 : vector<32xf32>
    %broadcast_in_dim3A_76 = vector.shape_cast %add3A_75 : vector<32xf32> to vector<32x1xf32>
    %broadcast_in_dim3A_77 = vector.shape_cast %add3A_75 : vector<32xf32> to vector<1x32xf32>
    %add3A_78 = vector.broadcast %broadcast_in_dim3A_76 : vector<32x1xf32> to vector<32x32xf32>
    %add3A_79 = vector.broadcast %broadcast_in_dim3A_77 : vector<1x32xf32> to vector<32x32xf32>
    %add3A_80 = arith.addf %add3A_78, %add3A_79 : vector<32x32xf32>
    %mul3A_81 = arith.constant 5.000000e-01 : f32
    %mul3A_82 = vector.broadcast %mul3A_81 : f32 to vector<32x32xf32>
    %mul3A_83 = arith.mulf %mul3A_82, %add3A_80 : vector<32x32xf32>
    %sub3A_84 = arith.constant 1.000000e+00 : f32
    %sub3A_85 = vector.broadcast %sub3A_84 : f32 to vector<32x32xf32>
    %sub3A_86 = arith.subf %sub3A_85, %mul3A_83 : vector<32x32xf32>
    %add3A_87 = arith.addf %sub3A_86, %add3A : vector<32x32xf32>
    %swap3A_88 = arith.constant 0 : index
    %swap3A_89 = arith.constant 0 : index
    %swap3A_90 = arith.constant 0 : index
    %swap3A_91 = vector.load %arg5[%swap3A_88, %swap3A_89, %swap3A_90] : memref<1x32x32xf32, #tpu.memory_space<vmem>>, vector<1x32x32xf32>
    %swap3A_92 = vector.shape_cast %swap3A_91 : vector<1x32x32xf32> to vector<32x32xf32>
    %swap3A_93 = vector.shape_cast %add3A_87 : vector<32x32xf32> to vector<1x32x32xf32>
    tpu.vector_store %arg5[%swap3A_88, %swap3A_89, %swap3A_90], %swap3A_93 {strides = array<i32>} : memref<1x32x32xf32, #tpu.memory_space<vmem>>, vector<1x32x32xf32>,
    return
  }
  func.func @transform_0(%arg0: i32) -> (i32, i32, i32, i32) {
    %c0_i32 = arith.constant 0 : i32
    %c0_i32_0 = arith.constant 0 : i32
    %c0_i32_1 = arith.constant 0 : i32
    %c0_i32_2 = arith.constant 0 : i32
    return %arg0, %c0_i32, %c0_i32_0, %c0_i32_1 : i32, i32, i32, i32
  }
  func.func @transform_1(%arg0: i32) -> (i32, i32, i32) {
    %c0_i32 = arith.constant 0 : i32
    %c0_i32_0 = arith.constant 0 : i32
    %c0_i32_1 = arith.constant 0 : i32
    return %arg0, %c0_i32, %c0_i32_0 : i32, i32, i32
  }
  func.func @transform_2(%arg0: i32) -> (i32, i32, i32) {
    %c0_i32 = arith.constant 0 : i32
    %c0_i32_0 = arith.constant 0 : i32
    %c0_i32_1 = arith.constant 0 : i32
    return %arg0, %c0_i32, %c0_i32_0 : i32, i32, i32
  }
  func.func @transform_3(%arg0: i32) -> (i32, i32, i32) {
    %c0_i32 = arith.constant 0 : i32
    %c0_i32_0 = arith.constant 0 : i32
    %c0_i32_1 = arith.constant 0 : i32
    return %arg0, %c0_i32, %c0_i32_0 : i32, i32, i32
  }
  func.func @transform_4(%arg0: i32) -> (i32, i32, i32) {
    %c0_i32 = arith.constant 0 : i32
    %c0_i32_0 = arith.constant 0 : i32
    %c0_i32_1 = arith.constant 0 : i32
    return %arg0, %c0_i32, %c0_i32_0 : i32, i32, i32
  }
}

module attributes {stable_mosaic.version = 14 : i64} {
  func.func @body(%arg0: i32, %arg1: i32, %arg2: memref<1x24x16x384xf32, #tpu.memory_space<vmem>>, %arg3: memref<1x16x384xi32, #tpu.memory_space<vmem>>, %arg4: memref<1x32x24xf32, #tpu.memory_space<vmem>>) attributes {dimension_semantics = [#tpu.dimension_semantics<arbitrary>, #tpu.dimension_semantics<arbitrary>], iteration_bounds = array<i64: 4, 24>, scalar_prefetch = 0 : i64, scratch_operands = 0 : i64, tpu.core_type = #tpu.core_type<tc>, window_params = [{transform_indices = @transform_0, window_bounds = array<i64: 1, 24, 16, 384>}, {transform_indices = @transform_1, window_bounds = array<i64: 1, 16, 384>}, {transform_indices = @transform_2, window_bounds = array<i64: 1, 32, 24>}]} {
    %broadcast_in_dim3A = arith.constant 0.000000e+00 : f32
    %broadcast_in_dim3A_0 = vector.broadcast %broadcast_in_dim3A : f32 to vector<32x24xf32>
    %iota3A = tpu.iota {dimensions = array<i32: 0>} : vector<32x384xi32>
    %get3A = arith.constant 0 : index
    %get3A_1 = arith.constant 0 : index
    %get3A_2 = arith.constant 0 : index
    %get3A_3 = arith.constant 0 : index
    %get3A_4 = vector.load %arg2[%get3A, %get3A_1, %get3A_2, %get3A_3] : memref<1x24x16x384xf32, #tpu.memory_space<vmem>>, vector<1x24x1x384xf32>
    %get3A_5 = vector.shape_cast %get3A_4 : vector<1x24x1x384xf32> to vector<24x384xf32>
    %get3A_6 = arith.constant 0 : index
    %get3A_7 = arith.constant 0 : index
    %get3A_8 = arith.constant 0 : index
    %get3A_9 = vector.load %arg3[%get3A_6, %get3A_7, %get3A_8] : memref<1x16x384xi32, #tpu.memory_space<vmem>>, vector<1x1x384xi32>
    %get3A_10 = vector.shape_cast %get3A_9 : vector<1x1x384xi32> to vector<384xi32>
    %broadcast_in_dim3A_11 = vector.shape_cast %get3A_10 : vector<384xi32> to vector<1x384xi32>
    %broadcast_in_dim3A_12 = vector.shape_cast %broadcast_in_dim3A_11 : vector<1x384xi32> to vector<1x384xi32>
    %broadcast_in_dim3A_13 = vector.broadcast %broadcast_in_dim3A_12 : vector<1x384xi32> to vector<32x384xi32>
    %eq3A = arith.cmpi eq, %broadcast_in_dim3A_13, %iota3A : vector<32x384xi32>
    %convert_element_type3A = arith.extui %eq3A : vector<32x384xi1> to vector<32x384xi32>
    %convert_element_type3A_14 = arith.sitofp %convert_element_type3A : vector<32x384xi32> to vector<32x384xf32>
    %dot_general3A = arith.constant dense<0.000000e+00> : vector<32x24xf32>
    %dot_general3A_15 = tpu.matmul %convert_element_type3A_14, %get3A_5, %dot_general3A {dimension_numbers = #tpu.dot_dimension_numbers<[1], [1], [0], [0], [0, 0, 1, 0], [], []>, transpose_lhs_hint = false} : vector<32x384xf32>, vector<24x384xf32>, vector<32x24xf32> -> vector<32x24xf32>
    %add3A = arith.addf %broadcast_in_dim3A_0, %dot_general3A_15 : vector<32x24xf32>
    %get3A_16 = arith.constant 0 : index
    %get3A_17 = arith.constant 0 : index
    %get3A_18 = arith.constant 1 : index
    %get3A_19 = arith.constant 0 : index
    %get3A_20 = vector.load %arg2[%get3A_16, %get3A_17, %get3A_18, %get3A_19] : memref<1x24x16x384xf32, #tpu.memory_space<vmem>>, vector<1x24x1x384xf32>
    %get3A_21 = vector.shape_cast %get3A_20 : vector<1x24x1x384xf32> to vector<24x384xf32>
    %get3A_22 = arith.constant 0 : index
    %get3A_23 = arith.constant 1 : index
    %get3A_24 = arith.constant 0 : index
    %get3A_25 = vector.load %arg3[%get3A_22, %get3A_23, %get3A_24] : memref<1x16x384xi32, #tpu.memory_space<vmem>>, vector<1x1x384xi32>
    %get3A_26 = vector.shape_cast %get3A_25 : vector<1x1x384xi32> to vector<384xi32>
    %broadcast_in_dim3A_27 = vector.shape_cast %get3A_26 : vector<384xi32> to vector<1x384xi32>
    %broadcast_in_dim3A_28 = vector.shape_cast %broadcast_in_dim3A_27 : vector<1x384xi32> to vector<1x384xi32>
    %broadcast_in_dim3A_29 = vector.broadcast %broadcast_in_dim3A_28 : vector<1x384xi32> to vector<32x384xi32>
    %eq3A_30 = arith.cmpi eq, %broadcast_in_dim3A_29, %iota3A : vector<32x384xi32>
    %convert_element_type3A_31 = arith.extui %eq3A_30 : vector<32x384xi1> to vector<32x384xi32>
    %convert_element_type3A_32 = arith.sitofp %convert_element_type3A_31 : vector<32x384xi32> to vector<32x384xf32>
    %dot_general3A_33 = arith.constant dense<0.000000e+00> : vector<32x24xf32>
    %dot_general3A_34 = tpu.matmul %convert_element_type3A_32, %get3A_21, %dot_general3A_33 {dimension_numbers = #tpu.dot_dimension_numbers<[1], [1], [0], [0], [0, 0, 1, 0], [], []>, transpose_lhs_hint = false} : vector<32x384xf32>, vector<24x384xf32>, vector<32x24xf32> -> vector<32x24xf32>
    %add3A_35 = arith.addf %add3A, %dot_general3A_34 : vector<32x24xf32>
    %get3A_36 = arith.constant 0 : index
    %get3A_37 = arith.constant 0 : index
    %get3A_38 = arith.constant 2 : index
    %get3A_39 = arith.constant 0 : index
    %get3A_40 = vector.load %arg2[%get3A_36, %get3A_37, %get3A_38, %get3A_39] : memref<1x24x16x384xf32, #tpu.memory_space<vmem>>, vector<1x24x1x384xf32>
    %get3A_41 = vector.shape_cast %get3A_40 : vector<1x24x1x384xf32> to vector<24x384xf32>
    %get3A_42 = arith.constant 0 : index
    %get3A_43 = arith.constant 2 : index
    %get3A_44 = arith.constant 0 : index
    %get3A_45 = vector.load %arg3[%get3A_42, %get3A_43, %get3A_44] : memref<1x16x384xi32, #tpu.memory_space<vmem>>, vector<1x1x384xi32>
    %get3A_46 = vector.shape_cast %get3A_45 : vector<1x1x384xi32> to vector<384xi32>
    %broadcast_in_dim3A_47 = vector.shape_cast %get3A_46 : vector<384xi32> to vector<1x384xi32>
    %broadcast_in_dim3A_48 = vector.shape_cast %broadcast_in_dim3A_47 : vector<1x384xi32> to vector<1x384xi32>
    %broadcast_in_dim3A_49 = vector.broadcast %broadcast_in_dim3A_48 : vector<1x384xi32> to vector<32x384xi32>
    %eq3A_50 = arith.cmpi eq, %broadcast_in_dim3A_49, %iota3A : vector<32x384xi32>
    %convert_element_type3A_51 = arith.extui %eq3A_50 : vector<32x384xi1> to vector<32x384xi32>
    %convert_element_type3A_52 = arith.sitofp %convert_element_type3A_51 : vector<32x384xi32> to vector<32x384xf32>
    %dot_general3A_53 = arith.constant dense<0.000000e+00> : vector<32x24xf32>
    %dot_general3A_54 = tpu.matmul %convert_element_type3A_52, %get3A_41, %dot_general3A_53 {dimension_numbers = #tpu.dot_dimension_numbers<[1], [1], [0], [0], [0, 0, 1, 0], [], []>, transpose_lhs_hint = false} : vector<32x384xf32>, vector<24x384xf32>, vector<32x24xf32> -> vector<32x24xf32>
    %add3A_55 = arith.addf %add3A_35, %dot_general3A_54 : vector<32x24xf32>
    %get3A_56 = arith.constant 0 : index
    %get3A_57 = arith.constant 0 : index
    %get3A_58 = arith.constant 3 : index
    %get3A_59 = arith.constant 0 : index
    %get3A_60 = vector.load %arg2[%get3A_56, %get3A_57, %get3A_58, %get3A_59] : memref<1x24x16x384xf32, #tpu.memory_space<vmem>>, vector<1x24x1x384xf32>
    %get3A_61 = vector.shape_cast %get3A_60 : vector<1x24x1x384xf32> to vector<24x384xf32>
    %get3A_62 = arith.constant 0 : index
    %get3A_63 = arith.constant 3 : index
    %get3A_64 = arith.constant 0 : index
    %get3A_65 = vector.load %arg3[%get3A_62, %get3A_63, %get3A_64] : memref<1x16x384xi32, #tpu.memory_space<vmem>>, vector<1x1x384xi32>
    %get3A_66 = vector.shape_cast %get3A_65 : vector<1x1x384xi32> to vector<384xi32>
    %broadcast_in_dim3A_67 = vector.shape_cast %get3A_66 : vector<384xi32> to vector<1x384xi32>
    %broadcast_in_dim3A_68 = vector.shape_cast %broadcast_in_dim3A_67 : vector<1x384xi32> to vector<1x384xi32>
    %broadcast_in_dim3A_69 = vector.broadcast %broadcast_in_dim3A_68 : vector<1x384xi32> to vector<32x384xi32>
    %eq3A_70 = arith.cmpi eq, %broadcast_in_dim3A_69, %iota3A : vector<32x384xi32>
    %convert_element_type3A_71 = arith.extui %eq3A_70 : vector<32x384xi1> to vector<32x384xi32>
    %convert_element_type3A_72 = arith.sitofp %convert_element_type3A_71 : vector<32x384xi32> to vector<32x384xf32>
    %dot_general3A_73 = arith.constant dense<0.000000e+00> : vector<32x24xf32>
    %dot_general3A_74 = tpu.matmul %convert_element_type3A_72, %get3A_61, %dot_general3A_73 {dimension_numbers = #tpu.dot_dimension_numbers<[1], [1], [0], [0], [0, 0, 1, 0], [], []>, transpose_lhs_hint = false} : vector<32x384xf32>, vector<24x384xf32>, vector<32x24xf32> -> vector<32x24xf32>
    %add3A_75 = arith.addf %add3A_55, %dot_general3A_74 : vector<32x24xf32>
    %get3A_76 = arith.constant 0 : index
    %get3A_77 = arith.constant 0 : index
    %get3A_78 = arith.constant 4 : index
    %get3A_79 = arith.constant 0 : index
    %get3A_80 = vector.load %arg2[%get3A_76, %get3A_77, %get3A_78, %get3A_79] : memref<1x24x16x384xf32, #tpu.memory_space<vmem>>, vector<1x24x1x384xf32>
    %get3A_81 = vector.shape_cast %get3A_80 : vector<1x24x1x384xf32> to vector<24x384xf32>
    %get3A_82 = arith.constant 0 : index
    %get3A_83 = arith.constant 4 : index
    %get3A_84 = arith.constant 0 : index
    %get3A_85 = vector.load %arg3[%get3A_82, %get3A_83, %get3A_84] : memref<1x16x384xi32, #tpu.memory_space<vmem>>, vector<1x1x384xi32>
    %get3A_86 = vector.shape_cast %get3A_85 : vector<1x1x384xi32> to vector<384xi32>
    %broadcast_in_dim3A_87 = vector.shape_cast %get3A_86 : vector<384xi32> to vector<1x384xi32>
    %broadcast_in_dim3A_88 = vector.shape_cast %broadcast_in_dim3A_87 : vector<1x384xi32> to vector<1x384xi32>
    %broadcast_in_dim3A_89 = vector.broadcast %broadcast_in_dim3A_88 : vector<1x384xi32> to vector<32x384xi32>
    %eq3A_90 = arith.cmpi eq, %broadcast_in_dim3A_89, %iota3A : vector<32x384xi32>
    %convert_element_type3A_91 = arith.extui %eq3A_90 : vector<32x384xi1> to vector<32x384xi32>
    %convert_element_type3A_92 = arith.sitofp %convert_element_type3A_91 : vector<32x384xi32> to vector<32x384xf32>
    %dot_general3A_93 = arith.constant dense<0.000000e+00> : vector<32x24xf32>
    %dot_general3A_94 = tpu.matmul %convert_element_type3A_92, %get3A_81, %dot_general3A_93 {dimension_numbers = #tpu.dot_dimension_numbers<[1], [1], [0], [0], [0, 0, 1, 0], [], []>, transpose_lhs_hint = false} : vector<32x384xf32>, vector<24x384xf32>, vector<32x24xf32> -> vector<32x24xf32>
    %add3A_95 = arith.addf %add3A_75, %dot_general3A_94 : vector<32x24xf32>
    %get3A_96 = arith.constant 0 : index
    %get3A_97 = arith.constant 0 : index
    %get3A_98 = arith.constant 5 : index
    %get3A_99 = arith.constant 0 : index
    %get3A_100 = vector.load %arg2[%get3A_96, %get3A_97, %get3A_98, %get3A_99] : memref<1x24x16x384xf32, #tpu.memory_space<vmem>>, vector<1x24x1x384xf32>
    %get3A_101 = vector.shape_cast %get3A_100 : vector<1x24x1x384xf32> to vector<24x384xf32>
    %get3A_102 = arith.constant 0 : index
    %get3A_103 = arith.constant 5 : index
    %get3A_104 = arith.constant 0 : index
    %get3A_105 = vector.load %arg3[%get3A_102, %get3A_103, %get3A_104] : memref<1x16x384xi32, #tpu.memory_space<vmem>>, vector<1x1x384xi32>
    %get3A_106 = vector.shape_cast %get3A_105 : vector<1x1x384xi32> to vector<384xi32>
    %broadcast_in_dim3A_107 = vector.shape_cast %get3A_106 : vector<384xi32> to vector<1x384xi32>
    %broadcast_in_dim3A_108 = vector.shape_cast %broadcast_in_dim3A_107 : vector<1x384xi32> to vector<1x384xi32>
    %broadcast_in_dim3A_109 = vector.broadcast %broadcast_in_dim3A_108 : vector<1x384xi32> to vector<32x384xi32>
    %eq3A_110 = arith.cmpi eq, %broadcast_in_dim3A_109, %iota3A : vector<32x384xi32>
    %convert_element_type3A_111 = arith.extui %eq3A_110 : vector<32x384xi1> to vector<32x384xi32>
    %convert_element_type3A_112 = arith.sitofp %convert_element_type3A_111 : vector<32x384xi32> to vector<32x384xf32>
    %dot_general3A_113 = arith.constant dense<0.000000e+00> : vector<32x24xf32>
    %dot_general3A_114 = tpu.matmul %convert_element_type3A_112, %get3A_101, %dot_general3A_113 {dimension_numbers = #tpu.dot_dimension_numbers<[1], [1], [0], [0], [0, 0, 1, 0], [], []>, transpose_lhs_hint = false} : vector<32x384xf32>, vector<24x384xf32>, vector<32x24xf32> -> vector<32x24xf32>
    %add3A_115 = arith.addf %add3A_95, %dot_general3A_114 : vector<32x24xf32>
    %get3A_116 = arith.constant 0 : index
    %get3A_117 = arith.constant 0 : index
    %get3A_118 = arith.constant 6 : index
    %get3A_119 = arith.constant 0 : index
    %get3A_120 = vector.load %arg2[%get3A_116, %get3A_117, %get3A_118, %get3A_119] : memref<1x24x16x384xf32, #tpu.memory_space<vmem>>, vector<1x24x1x384xf32>
    %get3A_121 = vector.shape_cast %get3A_120 : vector<1x24x1x384xf32> to vector<24x384xf32>
    %get3A_122 = arith.constant 0 : index
    %get3A_123 = arith.constant 6 : index
    %get3A_124 = arith.constant 0 : index
    %get3A_125 = vector.load %arg3[%get3A_122, %get3A_123, %get3A_124] : memref<1x16x384xi32, #tpu.memory_space<vmem>>, vector<1x1x384xi32>
    %get3A_126 = vector.shape_cast %get3A_125 : vector<1x1x384xi32> to vector<384xi32>
    %broadcast_in_dim3A_127 = vector.shape_cast %get3A_126 : vector<384xi32> to vector<1x384xi32>
    %broadcast_in_dim3A_128 = vector.shape_cast %broadcast_in_dim3A_127 : vector<1x384xi32> to vector<1x384xi32>
    %broadcast_in_dim3A_129 = vector.broadcast %broadcast_in_dim3A_128 : vector<1x384xi32> to vector<32x384xi32>
    %eq3A_130 = arith.cmpi eq, %broadcast_in_dim3A_129, %iota3A : vector<32x384xi32>
    %convert_element_type3A_131 = arith.extui %eq3A_130 : vector<32x384xi1> to vector<32x384xi32>
    %convert_element_type3A_132 = arith.sitofp %convert_element_type3A_131 : vector<32x384xi32> to vector<32x384xf32>
    %dot_general3A_133 = arith.constant dense<0.000000e+00> : vector<32x24xf32>
    %dot_general3A_134 = tpu.matmul %convert_element_type3A_132, %get3A_121, %dot_general3A_133 {dimension_numbers = #tpu.dot_dimension_numbers<[1], [1], [0], [0], [0, 0, 1, 0], [], []>, transpose_lhs_hint = false} : vector<32x384xf32>, vector<24x384xf32>, vector<32x24xf32> -> vector<32x24xf32>
    %add3A_135 = arith.addf %add3A_115, %dot_general3A_134 : vector<32x24xf32>
    %get3A_136 = arith.constant 0 : index
    %get3A_137 = arith.constant 0 : index
    %get3A_138 = arith.constant 7 : index
    %get3A_139 = arith.constant 0 : index
    %get3A_140 = vector.load %arg2[%get3A_136, %get3A_137, %get3A_138, %get3A_139] : memref<1x24x16x384xf32, #tpu.memory_space<vmem>>, vector<1x24x1x384xf32>
    %get3A_141 = vector.shape_cast %get3A_140 : vector<1x24x1x384xf32> to vector<24x384xf32>
    %get3A_142 = arith.constant 0 : index
    %get3A_143 = arith.constant 7 : index
    %get3A_144 = arith.constant 0 : index
    %get3A_145 = vector.load %arg3[%get3A_142, %get3A_143, %get3A_144] : memref<1x16x384xi32, #tpu.memory_space<vmem>>, vector<1x1x384xi32>
    %get3A_146 = vector.shape_cast %get3A_145 : vector<1x1x384xi32> to vector<384xi32>
    %broadcast_in_dim3A_147 = vector.shape_cast %get3A_146 : vector<384xi32> to vector<1x384xi32>
    %broadcast_in_dim3A_148 = vector.shape_cast %broadcast_in_dim3A_147 : vector<1x384xi32> to vector<1x384xi32>
    %broadcast_in_dim3A_149 = vector.broadcast %broadcast_in_dim3A_148 : vector<1x384xi32> to vector<32x384xi32>
    %eq3A_150 = arith.cmpi eq, %broadcast_in_dim3A_149, %iota3A : vector<32x384xi32>
    %convert_element_type3A_151 = arith.extui %eq3A_150 : vector<32x384xi1> to vector<32x384xi32>
    %convert_element_type3A_152 = arith.sitofp %convert_element_type3A_151 : vector<32x384xi32> to vector<32x384xf32>
    %dot_general3A_153 = arith.constant dense<0.000000e+00> : vector<32x24xf32>
    %dot_general3A_154 = tpu.matmul %convert_element_type3A_152, %get3A_141, %dot_general3A_153 {dimension_numbers = #tpu.dot_dimension_numbers<[1], [1], [0], [0], [0, 0, 1, 0], [], []>, transpose_lhs_hint = false} : vector<32x384xf32>, vector<24x384xf32>, vector<32x24xf32> -> vector<32x24xf32>
    %add3A_155 = arith.addf %add3A_135, %dot_general3A_154 : vector<32x24xf32>
    %get3A_156 = arith.constant 0 : index
    %get3A_157 = arith.constant 0 : index
    %get3A_158 = arith.constant 8 : index
    %get3A_159 = arith.constant 0 : index
    %get3A_160 = vector.load %arg2[%get3A_156, %get3A_157, %get3A_158, %get3A_159] : memref<1x24x16x384xf32, #tpu.memory_space<vmem>>, vector<1x24x1x384xf32>
    %get3A_161 = vector.shape_cast %get3A_160 : vector<1x24x1x384xf32> to vector<24x384xf32>
    %get3A_162 = arith.constant 0 : index
    %get3A_163 = arith.constant 8 : index
    %get3A_164 = arith.constant 0 : index
    %get3A_165 = vector.load %arg3[%get3A_162, %get3A_163, %get3A_164] : memref<1x16x384xi32, #tpu.memory_space<vmem>>, vector<1x1x384xi32>
    %get3A_166 = vector.shape_cast %get3A_165 : vector<1x1x384xi32> to vector<384xi32>
    %broadcast_in_dim3A_167 = vector.shape_cast %get3A_166 : vector<384xi32> to vector<1x384xi32>
    %broadcast_in_dim3A_168 = vector.shape_cast %broadcast_in_dim3A_167 : vector<1x384xi32> to vector<1x384xi32>
    %broadcast_in_dim3A_169 = vector.broadcast %broadcast_in_dim3A_168 : vector<1x384xi32> to vector<32x384xi32>
    %eq3A_170 = arith.cmpi eq, %broadcast_in_dim3A_169, %iota3A : vector<32x384xi32>
    %convert_element_type3A_171 = arith.extui %eq3A_170 : vector<32x384xi1> to vector<32x384xi32>
    %convert_element_type3A_172 = arith.sitofp %convert_element_type3A_171 : vector<32x384xi32> to vector<32x384xf32>
    %dot_general3A_173 = arith.constant dense<0.000000e+00> : vector<32x24xf32>
    %dot_general3A_174 = tpu.matmul %convert_element_type3A_172, %get3A_161, %dot_general3A_173 {dimension_numbers = #tpu.dot_dimension_numbers<[1], [1], [0], [0], [0, 0, 1, 0], [], []>, transpose_lhs_hint = false} : vector<32x384xf32>, vector<24x384xf32>, vector<32x24xf32> -> vector<32x24xf32>
    %add3A_175 = arith.addf %add3A_155, %dot_general3A_174 : vector<32x24xf32>
    %get3A_176 = arith.constant 0 : index
    %get3A_177 = arith.constant 0 : index
    %get3A_178 = arith.constant 9 : index
    %get3A_179 = arith.constant 0 : index
    %get3A_180 = vector.load %arg2[%get3A_176, %get3A_177, %get3A_178, %get3A_179] : memref<1x24x16x384xf32, #tpu.memory_space<vmem>>, vector<1x24x1x384xf32>
    %get3A_181 = vector.shape_cast %get3A_180 : vector<1x24x1x384xf32> to vector<24x384xf32>
    %get3A_182 = arith.constant 0 : index
    %get3A_183 = arith.constant 9 : index
    %get3A_184 = arith.constant 0 : index
    %get3A_185 = vector.load %arg3[%get3A_182, %get3A_183, %get3A_184] : memref<1x16x384xi32, #tpu.memory_space<vmem>>, vector<1x1x384xi32>
    %get3A_186 = vector.shape_cast %get3A_185 : vector<1x1x384xi32> to vector<384xi32>
    %broadcast_in_dim3A_187 = vector.shape_cast %get3A_186 : vector<384xi32> to vector<1x384xi32>
    %broadcast_in_dim3A_188 = vector.shape_cast %broadcast_in_dim3A_187 : vector<1x384xi32> to vector<1x384xi32>
    %broadcast_in_dim3A_189 = vector.broadcast %broadcast_in_dim3A_188 : vector<1x384xi32> to vector<32x384xi32>
    %eq3A_190 = arith.cmpi eq, %broadcast_in_dim3A_189, %iota3A : vector<32x384xi32>
    %convert_element_type3A_191 = arith.extui %eq3A_190 : vector<32x384xi1> to vector<32x384xi32>
    %convert_element_type3A_192 = arith.sitofp %convert_element_type3A_191 : vector<32x384xi32> to vector<32x384xf32>
    %dot_general3A_193 = arith.constant dense<0.000000e+00> : vector<32x24xf32>
    %dot_general3A_194 = tpu.matmul %convert_element_type3A_192, %get3A_181, %dot_general3A_193 {dimension_numbers = #tpu.dot_dimension_numbers<[1], [1], [0], [0], [0, 0, 1, 0], [], []>, transpose_lhs_hint = false} : vector<32x384xf32>, vector<24x384xf32>, vector<32x24xf32> -> vector<32x24xf32>
    %add3A_195 = arith.addf %add3A_175, %dot_general3A_194 : vector<32x24xf32>
    %get3A_196 = arith.constant 0 : index
    %get3A_197 = arith.constant 0 : index
    %get3A_198 = arith.constant 10 : index
    %get3A_199 = arith.constant 0 : index
    %get3A_200 = vector.load %arg2[%get3A_196, %get3A_197, %get3A_198, %get3A_199] : memref<1x24x16x384xf32, #tpu.memory_space<vmem>>, vector<1x24x1x384xf32>
    %get3A_201 = vector.shape_cast %get3A_200 : vector<1x24x1x384xf32> to vector<24x384xf32>
    %get3A_202 = arith.constant 0 : index
    %get3A_203 = arith.constant 10 : index
    %get3A_204 = arith.constant 0 : index
    %get3A_205 = vector.load %arg3[%get3A_202, %get3A_203, %get3A_204] : memref<1x16x384xi32, #tpu.memory_space<vmem>>, vector<1x1x384xi32>
    %get3A_206 = vector.shape_cast %get3A_205 : vector<1x1x384xi32> to vector<384xi32>
    %broadcast_in_dim3A_207 = vector.shape_cast %get3A_206 : vector<384xi32> to vector<1x384xi32>
    %broadcast_in_dim3A_208 = vector.shape_cast %broadcast_in_dim3A_207 : vector<1x384xi32> to vector<1x384xi32>
    %broadcast_in_dim3A_209 = vector.broadcast %broadcast_in_dim3A_208 : vector<1x384xi32> to vector<32x384xi32>
    %eq3A_210 = arith.cmpi eq, %broadcast_in_dim3A_209, %iota3A : vector<32x384xi32>
    %convert_element_type3A_211 = arith.extui %eq3A_210 : vector<32x384xi1> to vector<32x384xi32>
    %convert_element_type3A_212 = arith.sitofp %convert_element_type3A_211 : vector<32x384xi32> to vector<32x384xf32>
    %dot_general3A_213 = arith.constant dense<0.000000e+00> : vector<32x24xf32>
    %dot_general3A_214 = tpu.matmul %convert_element_type3A_212, %get3A_201, %dot_general3A_213 {dimension_numbers = #tpu.dot_dimension_numbers<[1], [1], [0], [0], [0, 0, 1, 0], [], []>, transpose_lhs_hint = false} : vector<32x384xf32>, vector<24x384xf32>, vector<32x24xf32> -> vector<32x24xf32>
    %add3A_215 = arith.addf %add3A_195, %dot_general3A_214 : vector<32x24xf32>
    %get3A_216 = arith.constant 0 : index
    %get3A_217 = arith.constant 0 : index
    %get3A_218 = arith.constant 11 : index
    %get3A_219 = arith.constant 0 : index
    %get3A_220 = vector.load %arg2[%get3A_216, %get3A_217, %get3A_218, %get3A_219] : memref<1x24x16x384xf32, #tpu.memory_space<vmem>>, vector<1x24x1x384xf32>
    %get3A_221 = vector.shape_cast %get3A_220 : vector<1x24x1x384xf32> to vector<24x384xf32>
    %get3A_222 = arith.constant 0 : index
    %get3A_223 = arith.constant 11 : index
    %get3A_224 = arith.constant 0 : index
    %get3A_225 = vector.load %arg3[%get3A_222, %get3A_223, %get3A_224] : memref<1x16x384xi32, #tpu.memory_space<vmem>>, vector<1x1x384xi32>
    %get3A_226 = vector.shape_cast %get3A_225 : vector<1x1x384xi32> to vector<384xi32>
    %broadcast_in_dim3A_227 = vector.shape_cast %get3A_226 : vector<384xi32> to vector<1x384xi32>
    %broadcast_in_dim3A_228 = vector.shape_cast %broadcast_in_dim3A_227 : vector<1x384xi32> to vector<1x384xi32>
    %broadcast_in_dim3A_229 = vector.broadcast %broadcast_in_dim3A_228 : vector<1x384xi32> to vector<32x384xi32>
    %eq3A_230 = arith.cmpi eq, %broadcast_in_dim3A_229, %iota3A : vector<32x384xi32>
    %convert_element_type3A_231 = arith.extui %eq3A_230 : vector<32x384xi1> to vector<32x384xi32>
    %convert_element_type3A_232 = arith.sitofp %convert_element_type3A_231 : vector<32x384xi32> to vector<32x384xf32>
    %dot_general3A_233 = arith.constant dense<0.000000e+00> : vector<32x24xf32>
    %dot_general3A_234 = tpu.matmul %convert_element_type3A_232, %get3A_221, %dot_general3A_233 {dimension_numbers = #tpu.dot_dimension_numbers<[1], [1], [0], [0], [0, 0, 1, 0], [], []>, transpose_lhs_hint = false} : vector<32x384xf32>, vector<24x384xf32>, vector<32x24xf32> -> vector<32x24xf32>
    %add3A_235 = arith.addf %add3A_215, %dot_general3A_234 : vector<32x24xf32>
    %get3A_236 = arith.constant 0 : index
    %get3A_237 = arith.constant 0 : index
    %get3A_238 = arith.constant 12 : index
    %get3A_239 = arith.constant 0 : index
    %get3A_240 = vector.load %arg2[%get3A_236, %get3A_237, %get3A_238, %get3A_239] : memref<1x24x16x384xf32, #tpu.memory_space<vmem>>, vector<1x24x1x384xf32>
    %get3A_241 = vector.shape_cast %get3A_240 : vector<1x24x1x384xf32> to vector<24x384xf32>
    %get3A_242 = arith.constant 0 : index
    %get3A_243 = arith.constant 12 : index
    %get3A_244 = arith.constant 0 : index
    %get3A_245 = vector.load %arg3[%get3A_242, %get3A_243, %get3A_244] : memref<1x16x384xi32, #tpu.memory_space<vmem>>, vector<1x1x384xi32>
    %get3A_246 = vector.shape_cast %get3A_245 : vector<1x1x384xi32> to vector<384xi32>
    %broadcast_in_dim3A_247 = vector.shape_cast %get3A_246 : vector<384xi32> to vector<1x384xi32>
    %broadcast_in_dim3A_248 = vector.shape_cast %broadcast_in_dim3A_247 : vector<1x384xi32> to vector<1x384xi32>
    %broadcast_in_dim3A_249 = vector.broadcast %broadcast_in_dim3A_248 : vector<1x384xi32> to vector<32x384xi32>
    %eq3A_250 = arith.cmpi eq, %broadcast_in_dim3A_249, %iota3A : vector<32x384xi32>
    %convert_element_type3A_251 = arith.extui %eq3A_250 : vector<32x384xi1> to vector<32x384xi32>
    %convert_element_type3A_252 = arith.sitofp %convert_element_type3A_251 : vector<32x384xi32> to vector<32x384xf32>
    %dot_general3A_253 = arith.constant dense<0.000000e+00> : vector<32x24xf32>
    %dot_general3A_254 = tpu.matmul %convert_element_type3A_252, %get3A_241, %dot_general3A_253 {dimension_numbers = #tpu.dot_dimension_numbers<[1], [1], [0], [0], [0, 0, 1, 0], [], []>, transpose_lhs_hint = false} : vector<32x384xf32>, vector<24x384xf32>, vector<32x24xf32> -> vector<32x24xf32>
    %add3A_255 = arith.addf %add3A_235, %dot_general3A_254 : vector<32x24xf32>
    %get3A_256 = arith.constant 0 : index
    %get3A_257 = arith.constant 0 : index
    %get3A_258 = arith.constant 13 : index
    %get3A_259 = arith.constant 0 : index
    %get3A_260 = vector.load %arg2[%get3A_256, %get3A_257, %get3A_258, %get3A_259] : memref<1x24x16x384xf32, #tpu.memory_space<vmem>>, vector<1x24x1x384xf32>
    %get3A_261 = vector.shape_cast %get3A_260 : vector<1x24x1x384xf32> to vector<24x384xf32>
    %get3A_262 = arith.constant 0 : index
    %get3A_263 = arith.constant 13 : index
    %get3A_264 = arith.constant 0 : index
    %get3A_265 = vector.load %arg3[%get3A_262, %get3A_263, %get3A_264] : memref<1x16x384xi32, #tpu.memory_space<vmem>>, vector<1x1x384xi32>
    %get3A_266 = vector.shape_cast %get3A_265 : vector<1x1x384xi32> to vector<384xi32>
    %broadcast_in_dim3A_267 = vector.shape_cast %get3A_266 : vector<384xi32> to vector<1x384xi32>
    %broadcast_in_dim3A_268 = vector.shape_cast %broadcast_in_dim3A_267 : vector<1x384xi32> to vector<1x384xi32>
    %broadcast_in_dim3A_269 = vector.broadcast %broadcast_in_dim3A_268 : vector<1x384xi32> to vector<32x384xi32>
    %eq3A_270 = arith.cmpi eq, %broadcast_in_dim3A_269, %iota3A : vector<32x384xi32>
    %convert_element_type3A_271 = arith.extui %eq3A_270 : vector<32x384xi1> to vector<32x384xi32>
    %convert_element_type3A_272 = arith.sitofp %convert_element_type3A_271 : vector<32x384xi32> to vector<32x384xf32>
    %dot_general3A_273 = arith.constant dense<0.000000e+00> : vector<32x24xf32>
    %dot_general3A_274 = tpu.matmul %convert_element_type3A_272, %get3A_261, %dot_general3A_273 {dimension_numbers = #tpu.dot_dimension_numbers<[1], [1], [0], [0], [0, 0, 1, 0], [], []>, transpose_lhs_hint = false} : vector<32x384xf32>, vector<24x384xf32>, vector<32x24xf32> -> vector<32x24xf32>
    %add3A_275 = arith.addf %add3A_255, %dot_general3A_274 : vector<32x24xf32>
    %get3A_276 = arith.constant 0 : index
    %get3A_277 = arith.constant 0 : index
    %get3A_278 = arith.constant 14 : index
    %get3A_279 = arith.constant 0 : index
    %get3A_280 = vector.load %arg2[%get3A_276, %get3A_277, %get3A_278, %get3A_279] : memref<1x24x16x384xf32, #tpu.memory_space<vmem>>, vector<1x24x1x384xf32>
    %get3A_281 = vector.shape_cast %get3A_280 : vector<1x24x1x384xf32> to vector<24x384xf32>
    %get3A_282 = arith.constant 0 : index
    %get3A_283 = arith.constant 14 : index
    %get3A_284 = arith.constant 0 : index
    %get3A_285 = vector.load %arg3[%get3A_282, %get3A_283, %get3A_284] : memref<1x16x384xi32, #tpu.memory_space<vmem>>, vector<1x1x384xi32>
    %get3A_286 = vector.shape_cast %get3A_285 : vector<1x1x384xi32> to vector<384xi32>
    %broadcast_in_dim3A_287 = vector.shape_cast %get3A_286 : vector<384xi32> to vector<1x384xi32>
    %broadcast_in_dim3A_288 = vector.shape_cast %broadcast_in_dim3A_287 : vector<1x384xi32> to vector<1x384xi32>
    %broadcast_in_dim3A_289 = vector.broadcast %broadcast_in_dim3A_288 : vector<1x384xi32> to vector<32x384xi32>
    %eq3A_290 = arith.cmpi eq, %broadcast_in_dim3A_289, %iota3A : vector<32x384xi32>
    %convert_element_type3A_291 = arith.extui %eq3A_290 : vector<32x384xi1> to vector<32x384xi32>
    %convert_element_type3A_292 = arith.sitofp %convert_element_type3A_291 : vector<32x384xi32> to vector<32x384xf32>
    %dot_general3A_293 = arith.constant dense<0.000000e+00> : vector<32x24xf32>
    %dot_general3A_294 = tpu.matmul %convert_element_type3A_292, %get3A_281, %dot_general3A_293 {dimension_numbers = #tpu.dot_dimension_numbers<[1], [1], [0], [0], [0, 0, 1, 0], [], []>, transpose_lhs_hint = false} : vector<32x384xf32>, vector<24x384xf32>, vector<32x24xf32> -> vector<32x24xf32>
    %add3A_295 = arith.addf %add3A_275, %dot_general3A_294 : vector<32x24xf32>
    %get3A_296 = arith.constant 0 : index
    %get3A_297 = arith.constant 0 : index
    %get3A_298 = arith.constant 15 : index
    %get3A_299 = arith.constant 0 : index
    %get3A_300 = vector.load %arg2[%get3A_296, %get3A_297, %get3A_298, %get3A_299] : memref<1x24x16x384xf32, #tpu.memory_space<vmem>>, vector<1x24x1x384xf32>
    %get3A_301 = vector.shape_cast %get3A_300 : vector<1x24x1x384xf32> to vector<24x384xf32>
    %get3A_302 = arith.constant 0 : index
    %get3A_303 = arith.constant 15 : index
    %get3A_304 = arith.constant 0 : index
    %get3A_305 = vector.load %arg3[%get3A_302, %get3A_303, %get3A_304] : memref<1x16x384xi32, #tpu.memory_space<vmem>>, vector<1x1x384xi32>
    %get3A_306 = vector.shape_cast %get3A_305 : vector<1x1x384xi32> to vector<384xi32>
    %broadcast_in_dim3A_307 = vector.shape_cast %get3A_306 : vector<384xi32> to vector<1x384xi32>
    %broadcast_in_dim3A_308 = vector.shape_cast %broadcast_in_dim3A_307 : vector<1x384xi32> to vector<1x384xi32>
    %broadcast_in_dim3A_309 = vector.broadcast %broadcast_in_dim3A_308 : vector<1x384xi32> to vector<32x384xi32>
    %eq3A_310 = arith.cmpi eq, %broadcast_in_dim3A_309, %iota3A : vector<32x384xi32>
    %convert_element_type3A_311 = arith.extui %eq3A_310 : vector<32x384xi1> to vector<32x384xi32>
    %convert_element_type3A_312 = arith.sitofp %convert_element_type3A_311 : vector<32x384xi32> to vector<32x384xf32>
    %dot_general3A_313 = arith.constant dense<0.000000e+00> : vector<32x24xf32>
    %dot_general3A_314 = tpu.matmul %convert_element_type3A_312, %get3A_301, %dot_general3A_313 {dimension_numbers = #tpu.dot_dimension_numbers<[1], [1], [0], [0], [0, 0, 1, 0], [], []>, transpose_lhs_hint = false} : vector<32x384xf32>, vector<24x384xf32>, vector<32x24xf32> -> vector<32x24xf32>
    %add3A_315 = arith.addf %add3A_295, %dot_general3A_314 : vector<32x24xf32>
    %eq3A_316 = arith.constant 0 : i32
    %eq3A_317 = arith.cmpi eq, %arg1, %eq3A_316 : i32
    %convert_element_type3A_318 = arith.extui %eq3A_317 : i1 to i32
    %cond3A = arith.constant 0 : i32
    %cond3A_319 = arith.cmpi ne, %convert_element_type3A_318, %cond3A : i32
    scf.if %cond3A_319 {
      %swap3A = arith.constant 0 : index
      %swap3A_324 = arith.constant 0 : index
      %swap3A_325 = arith.constant 0 : index
      %swap3A_326 = vector.load %arg4[%swap3A, %swap3A_324, %swap3A_325] : memref<1x32x24xf32, #tpu.memory_space<vmem>>, vector<1x32x24xf32>
      %swap3A_327 = vector.shape_cast %swap3A_326 : vector<1x32x24xf32> to vector<32x24xf32>
      %swap3A_328 = vector.shape_cast %add3A_315 : vector<32x24xf32> to vector<1x32x24xf32>
      tpu.vector_store %arg4[%swap3A, %swap3A_324, %swap3A_325], %swap3A_328 {strides = array<i32>} : memref<1x32x24xf32, #tpu.memory_space<vmem>>, vector<1x32x24xf32>,
    } else {
    }
    %ne3A = arith.constant 0 : i32
    %ne3A_320 = arith.cmpi ne, %arg1, %ne3A : i32
    %convert_element_type3A_321 = arith.extui %ne3A_320 : i1 to i32
    %cond3A_322 = arith.constant 0 : i32
    %cond3A_323 = arith.cmpi ne, %convert_element_type3A_321, %cond3A_322 : i32
    scf.if %cond3A_323 {
      %get3A_324 = arith.constant 0 : index
      %get3A_325 = arith.constant 0 : index
      %get3A_326 = arith.constant 0 : index
      %get3A_327 = vector.load %arg4[%get3A_324, %get3A_325, %get3A_326] : memref<1x32x24xf32, #tpu.memory_space<vmem>>, vector<1x32x24xf32>
      %get3A_328 = vector.shape_cast %get3A_327 : vector<1x32x24xf32> to vector<32x24xf32>
      %add3A_329 = arith.addf %get3A_328, %add3A_315 : vector<32x24xf32>
      %swap3A = arith.constant 0 : index
      %swap3A_330 = arith.constant 0 : index
      %swap3A_331 = arith.constant 0 : index
      %swap3A_332 = vector.load %arg4[%swap3A, %swap3A_330, %swap3A_331] : memref<1x32x24xf32, #tpu.memory_space<vmem>>, vector<1x32x24xf32>
      %swap3A_333 = vector.shape_cast %swap3A_332 : vector<1x32x24xf32> to vector<32x24xf32>
      %swap3A_334 = vector.shape_cast %add3A_329 : vector<32x24xf32> to vector<1x32x24xf32>
      tpu.vector_store %arg4[%swap3A, %swap3A_330, %swap3A_331], %swap3A_334 {strides = array<i32>} : memref<1x32x24xf32, #tpu.memory_space<vmem>>, vector<1x32x24xf32>,
    } else {
    }
    return
  }
  func.func @transform_0(%arg0: i32, %arg1: i32) -> (i32, i32, i32, i32) {
    %c3_i32 = arith.constant 3 : i32
    %c0_i32 = arith.constant 0 : i32
    %c0_i32_0 = arith.constant 0 : i32
    return %arg0, %c3_i32, %arg1, %c0_i32 : i32, i32, i32, i32
  }
  func.func @transform_1(%arg0: i32, %arg1: i32) -> (i32, i32, i32) {
    %c0_i32 = arith.constant 0 : i32
    %c0_i32_0 = arith.constant 0 : i32
    return %arg0, %arg1, %c0_i32 : i32, i32, i32
  }
  func.func @transform_2(%arg0: i32, %arg1: i32) -> (i32, i32, i32) {
    %c0_i32 = arith.constant 0 : i32
    %c0_i32_0 = arith.constant 0 : i32
    %c0_i32_1 = arith.constant 0 : i32
    return %arg0, %c0_i32, %c0_i32_0 : i32, i32, i32
  }
}

</mosaic_0001>

<sc_bundles>
// kernel: kernel.5.cloned.1.call-start
scs
__scs_entry_jumppad:
0x0: {  	(pc) =	sbr.rel $0x88, $3  }
0x1: {  	(tag) =	ssettag $0x0;
	lr =	simm.s32 $0x1  }
0x2: {  	[smem:$0x3F9F] =	sst lr;
	_ =	strace $0xD0000000  }
0x3: {  	_ = 	snop  }
0x4: {  	_ = 	snop  }
0x5: {  	_ = 	snop  }
0x6: {  	_ = 	snop  }
0x7: {  	_ = 	snop  }
__scs_overlays_trampoline_lowered:
0x8: {  	[smem:$0x3FAE] =	sst s0  }
0x9: {  	[smem:$0x3FAF] =	sst s1  }
0xa: {  	[smem:$0x3FB0] =	sst s2  }
0xb: {  	[smem:$0x3FB1] =	sst s3  }
0xc: {  	[smem:$0x3FB2] =	sst s4  }
0xd: {  	[smem:$0x3FB3] =	sst s5  }
0xe: {  	[smem:$0x3FB4] =	sst s6  }
0xf: {  	[smem:$0x3FB5] =	sst s7  }
0x10: {  	[smem:$0x3FB6] =	sst s8  }
0x11: {  	[smem:$0x3FB7] =	sst s9;
	s0 =	simm.s32 @!p0 $0x0  }
0x12: {  	s1 =	sld [smem:$0x3F9D];
	s0 =	simm.s32 @p0 $0x1  }
0x13: {  	[smem:$0x3FB8] =	sst s0;
	s0 =	simm.s32 @!p1 $0x0  }
0x14: {  	s2 =	sld [smem:$0x3F9C];
	s0 =	simm.s32 @p1 $0x1  }
0x15: {  	[smem:$0x3FB9] =	sst s0;
	s0 =	simm.s32 @!p2 $0x0  }
0x16: {  	s3 =	sld [smem:$0x3FDB];
	s0 =	simm.s32 @p2 $0x1  }
0x17: {  	s4 =	simm.s32 $0x1BF5;
	[smem:$0x3FBB] =	sst s0  }
0x18: {  	s0 =	sld [smem:$0x3F9E];
	_ =	swait.ge [sflag:s4], $0x0  }
0x19: {  	s7 =	sld [smem:$0x3F9F]  }
0x1a: {  	s8 =	sadd.s32 $0xFFFFE003, lr  }
0x1b: {  	s9 =	sadd.s32 $0xFFFFFEF7, lr;
	s5 =	simm.s32 $0xFFFFFFFF;
	p2 =	slt.u32 s8, $0xFFFFF086  }
0x1c: {  	p1 =	slt.u32 s9, $0xF7A;
	s5 =	simm.s32 @!p2 $0x0  }
0x1d: {  	s5 =	simm.s32 @p1 $0x1;
	p0 =	seq.s32 s7, s2  }
0x1e: {  	s7 =	smul.u32 @!p0 $0xF7A, s2;
	p2 =	seq.s32 @!p0 s5, $0x0  }
0x1f: {  	s9 =	smul.u32 $0xF7A, s1;
	s8 =	simm.s32 @!p0 $0x1BF5;
	p2 =	por !p2, p0  }
0x20: {  	[sflag:s8] =	ssyncset.s32 @!p0 $0xFFFFF086;
	s6 =	sadd.s32 @!p0 s3, s7;
	s7 =	simm.s32 @!p0 $0x108  }
0x21: {  	s3 =	sadd.s32 s3, s9;
	s6 =	sadd.s32 @!p0 $0x88, s6;
	s7 =	simm.s32 @p2 $0x1082  }
0x22: {  	[simem:s7], [sflag:s8] =	dma.local @!p0 [hbm:s6], $0xF7A  }
0x23: {  	s9 =	sor.u32 $0xD0000000, s2;
	s6 =	simm.s32 $0x108;
	_ =	swait.ge @!p0 [sflag:s8], $0x0  }
0x24: {  	s3 =	sadd.s32 $0x88, s3;
	s6 =	simm.s32 @!p1 $0x1082;
	[sflag:s4] =	ssyncset.s32 $0xFFFFF086  }
0x25: {  	[simem:s6], [sflag:s4] =	dma.local [hbm:s3], $0xF7A  }
0x26: {  	[smem:$0x3F9F] =	sst s1;
	(tag) =	ssettag s2;
	_ =	strace s9  }
0x27: {  	s1 =	sld [smem:$0x3FAF]  }
0x28: {  	s2 =	sld [smem:$0x3FB0]  }
0x29: {  	s4 =	sld [smem:$0x3FB2]  }
0x2a: {  	p0 =	seq.s32 s5, $0x0;
	s5 =	sld [smem:$0x3FB3]  }
0x2b: {  	s6 =	sld [smem:$0x3FB4]  }
0x2c: {  	s7 =	sld [smem:$0x3FB5]  }
0x2d: {  	s3 =	simm.s32 $0x108;
	s8 =	sld [smem:$0x3FB6]  }
0x2e: {  	s3 =	simm.s32 @!p0 $0x1082;
	s9 =	sld [smem:$0x3FB7]  }
0x2f: {  	lr =	sadd.s32 s0, s3;
	s0 =	sld [smem:$0x3FAE]  }
0x30: {  	s3 =	sld [smem:$0x3FB1]  }
0x31: {  	[smem:$0x3FBA] =	sst s10  }
0x32: {  	s10 =	sld [smem:$0x3FB8];
	_ =	sdelay $0x3  }
0x33: {  	p0 =	seq.s32 s10, $0x1;
	s10 =	sld [smem:$0x3FBA];
	_ =	sdelay $0x3  }
0x34: {  	[smem:$0x3FBA] =	sst s10  }
0x35: {  	s10 =	sld [smem:$0x3FB9];
	_ =	sdelay $0x3  }
0x36: {  	p1 =	seq.s32 s10, $0x1;
	s10 =	sld [smem:$0x3FBA];
	_ =	sdelay $0x3  }
0x37: {  	[smem:$0x3FBA] =	sst s10  }
0x38: {  	s10 =	sld [smem:$0x3FBB]  }
0x39: {  	_ = 	snop;
	(pc) =	sbr.ind lr, $3  }
0x3a: {  	_ = 	snop  }
0x3b: {  	_ = 	snop  }
0x3c: {  	p2 =	seq.s32 s10, $0x1;
	s10 =	sld [smem:$0x3FBA]  }
0x3d: {  	_ =	shalt  }
0x3e: {  	_ =	shalt  }
0x3f: {  	_ =	shalt  }
0x40: {  	_ =	shalt  }
0x41: {  	_ =	shalt  }
0x42: {  	_ =	shalt  }
0x43: {  	_ =	shalt  }
0x44: {  	_ =	shalt  }
0x45: {  	_ =	shalt  }
0x46: {  	_ =	shalt  }
0x47: {  	_ =	shalt  }
0x48: {  	_ =	shalt  }
0x49: {  	_ =	shalt  }
0x4a: {  	_ =	shalt  }
0x4b: {  	_ =	shalt  }
0x4c: {  	_ =	shalt  }
0x4d: {  	_ =	shalt  }
0x4e: {  	_ =	shalt  }
0x4f: {  	_ =	shalt  }
0x50: {  	_ =	shalt  }
0x51: {  	_ =	shalt  }
0x52: {  	_ =	shalt  }
0x53: {  	_ =	shalt  }
0x54: {  	_ =	shalt  }
0x55: {  	_ =	shalt  }
0x56: {  	_ =	shalt  }
0x57: {  	_ =	shalt  }
0x58: {  	_ =	shalt  }
0x59: {  	_ =	shalt  }
0x5a: {  	_ =	shalt  }
0x5b: {  	_ =	shalt  }
0x5c: {  	_ =	shalt  }
0x5d: {  	_ =	shalt  }
0x5e: {  	_ =	shalt  }
0x5f: {  	_ =	shalt  }
0x60: {  	_ =	shalt  }
0x61: {  	_ =	shalt  }
0x62: {  	_ =	shalt  }
0x63: {  	_ =	shalt  }
0x64: {  	_ =	shalt  }
0x65: {  	_ =	shalt  }
0x66: {  	_ =	shalt  }
0x67: {  	_ =	shalt  }
0x68: {  	_ =	shalt  }
0x69: {  	_ =	shalt  }
0x6a: {  	_ =	shalt  }
0x6b: {  	_ =	shalt  }
0x6c: {  	_ =	shalt  }
0x6d: {  	_ =	shalt  }
0x6e: {  	_ =	shalt  }
0x6f: {  	_ =	shalt  }
0x70: {  	_ =	shalt  }
0x71: {  	_ =	shalt  }
0x72: {  	_ =	shalt  }
0x73: {  	_ =	shalt  }
0x74: {  	_ =	shalt  }
0x75: {  	_ =	shalt  }
0x76: {  	_ =	shalt  }
0x77: {  	_ =	shalt  }
0x78: {  	_ =	shalt  }
0x79: {  	_ =	shalt  }
0x7a: {  	_ =	shalt  }
0x7b: {  	_ =	shalt  }
0x7c: {  	_ =	shalt  }
0x7d: {  	_ =	shalt  }
0x7e: {  	_ =	shalt  }
0x7f: {  	_ =	shalt  }
0x80: {  	_ =	shalt  }
0x81: {  	_ =	shalt  }
0x82: {  	_ =	shalt  }
0x83: {  	_ =	shalt  }
0x84: {  	_ =	shalt  }
0x85: {  	_ =	shalt  }
0x86: {  	_ =	shalt  }
0x87: {  	_ =	shalt  }
.Lfunc_end0:
.L_simem_size_0:
called_computation_lowered:
.L_overlay_start_0:
0x88: {  	s2 =	sld [smem:$0x3FD9]  }
0x89: {  	s3 =	sld [smem:$0x3FFE];
	_ =	sdelay $0x1  }
0x8a: {  	s1 =	srdreg.scid  }
0x8b: {  	s0 =	sand.u32 $0x1, s1  }
0x8c: {  	s14 =	sshll.u32 s0, $0xA;
	s2 =	sadd.s32 s3, s2  }
0x8d: {  	s2 =	sadd.s32 s2, s14  }
0x8e: {  	[smem:$0x3FC6] =	sst s2  }
0x8f: {  	_ = 	snop  }
0x90: {  	s2 =	sld [smem:$0x3FD0];
	_ =	sdelay $0x1  }
0x91: {  	s15 =	sld [smem:$0x3FC9]  }
0x92: {  	s5 =	simm.s32 $0xA;
	s6 =	simm.s32 $0x10;
	s4 =	sld [smem:$0x3FC8]  }
0x93: {  	[smem:s6], [sflag:s5] =	dma.local [hbm:s2], $0x1  }
0x94: {  	_ =	swait.eq [sflag:s5], $0x1  }
0x95: {  	[sflag:s5] =	ssyncset.done $0x0  }
0x96: {  	[sflag:s5] =	ssyncadd.s32 $0xFFFFFFFF  }
0x97: {  	s16 =	sld [smem:$0x11];
	(tm) =	ssettm $0x1  }
0x98: {  	s17 =	sld [smem:$0x3FFB];
	_ =	sdelay $0x3  }
0x99: {  	_ =	strace s17  }
0x9a: {  	s5 =	sld [smem:$0x3FFC];
	_ =	sdelay $0x3  }
0x9b: {  	_ =	strace s5  }
0x9c: {  	s5 =	sld [smem:$0x3FFD];
	_ =	sdelay $0x3  }
0x9d: {  	_ =	strace s5  }
0x9e: {  	_ =	strace $0x8FFFFFFF  }
0x9f: {  	s18 =	sld [smem:$0x3FDB];
	_ =	sdelay $0x1  }
0xa0: {  	s19 =	simm.s32 $_scs_section_size  }
0xa1: {  	s7 =	simm.s32 $_size__tile_overlayer_lowered;
	s8 =	simm.s32 $_tile_overlayer_lowered  }
0xa2: {  	s22 =	simm.s32 $0x1BFF;
	s21 =	sshll.u32 s8, $0x1;
	s5 =	sadd.s32 s19, s18  }
0xa3: {  	s9 =	simm.s32 $0x0;
	s20 =	sshll.u32 s7, $0x1;
	s7 =	sadd.s32 s21, s5  }
0xa4: {  	[timem:s9], [sflag:s22] =	dma.local [hbm:s7], s20  }
0xa5: {  	_ =	swait.ge [sflag:s22], s20  }
0xa6: {  	s6 =	ssub.s32 $0x0, s20;
	[sflag:s22] =	ssyncset.done $0x0  }
0xa7: {  	[sflag:s22] =	ssyncadd.s32 s6;
	_ =	sdelay $0x1  }
0xa8: {  	s23 =	simm.s32 $0x1B8B  }
0xa9: {  	_ =	swait.ge [sflag:s23], $0x1  }
0xaa: {  	[sflag:s23] =	ssyncset.done $0x0  }
0xab: {  	s25 =	simm.s32 $0x1B8E;
	s24 =	sld [smem:$0x3FFE];
	[sflag:s23] =	ssyncadd.s32 $0xFFFFFFFF  }
0xac: {  	s26 =	simm.s32 $execute0_lowered;
	[smem:$0x3FD2] =	sst s25  }
0xad: {  	s7 =	sshll.u32 s26, $0x1;
	_ =	strace $0x80000046;
	[dreg:$0x1] =	wrdreg $0xFFFFFFFF  }
0xae: {  	s28 =	simm.s32 $_size_execute0_lowered;
	s5 =	sadd.s32 s5, s7;
	[dreg:$0x0] =	wrdreg $0x0  }
0xaf: {  	s7 =	sshll.u32 s28, $0x1;
	[dreg:$0x2] =	wrdreg s5  }
0xb0: {  	[dreg:$0x3] =	wrdreg s7  }
0xb1: {  	[dreg:$0x4] =	wrdreg $0xC0  }
0xb2: {  	_ =	task [dreg:s9], $0x5FFFF  }
0xb3: {  	[dreg:$0x1] =	wrdreg $0xFFFFFFFF  }
0xb4: {  	[dreg:$0x0] =	wrdreg $0x60  }
0xb5: {  	[dreg:$0x2] =	wrdreg s15  }
0xb6: {  	[dreg:$0x3] =	wrdreg s4  }
0xb7: {  	[dreg:$0x4] =	wrdreg s24  }
0xb8: {  	[dreg:$0x5] =	wrdreg s16  }
0xb9: {  	[dreg:$0x6] =	wrdreg $0x9  }
0xba: {  	_ =	task.clear_ibuf [dreg:s9], $0x7FFFF;
	_ =	strace $0x90000046  }
0xbb: {  	s29 =	simm.s32 $0x9;
	_ =	strace $0x80000048  }
0xbc: {  	_ =	swait.ge [sflag:s29], $0x1  }
0xbd: {  	[sflag:s29] =	ssyncadd.s32 $0xFFFFFFFF  }
0xbe: {  	_ =	strace $0x90000048  }
0xbf: {  	_ =	sfence  }
0xc0: {  	s30 =	sld [smem:$0x0];
	_ =	sdelay $0x2  }
0xc1: {  	s31 =	sshll.u32 s1, $0xD;
	s1 =	sshrl.u32 s1, $0x2  }
0xc2: {  	s3 =	sand.u32 $0x4000, s31;
	s1 =	sadd.s32 s1, s30  }
0xc3: {  	s0 =	sor.u32 s3, s0;
	s1 =	sshll.u32 s1, $0x11  }
0xc4: {  	s0 =	sor.u32 s1, s0  }
0xc5: {  	s0 =	sadd.s32 $0x8F2B, s0  }
0xc6: {  	[sflag:s0] =	ssyncadd.remote.s32 $0x1  }
0xc7: {  	_ =	sfence.sel $0xFFFF  }
0xc8: {  	[dreg:$0x0] =	wrdreg $0xFFFFFFFF;
	(pc) =	sbr.abs _section_cstart, $3  }
0xc9: {  	[dreg:$0x1] =	wrdreg $0xFFFFFFFF  }
0xca: {  	_ =	task.clear_ibuf [dreg:s9], $0x2FFFF;
	_ =	strace $0x9FFFFFFF  }
0xcb: {  	(tm) =	ssettm $0x7FFFFFFF  }
tec
execute0_lowered:
.L_overlay_start_1:
0x0: {  	(tag) =	ssettag $0x1  }
0x1: {  	s1 =	rddreg [dreg:$0x0]  }
0x2: {  	s0 =	rddreg [dreg:$0x1]  }
0x3: {  	s2 =	rddreg [dreg:$0x2];
	s3 =	srdreg.scid  }
0x4: {  	s7 =	stileid.u32;
	s4 =	rddreg [dreg:$0x3];
	s28 =	simm.s32 $0x1B000  }
0x5: {  	s29 =	simm.s32 $0x1;
	s30 =	simm.s32 $0x2;
	s8 =	sshrl.u32 s7, $0x2  }
0x6: {  	s5 =	sand.u32 $0x1, s3;
	s15 =	sshll.u32 s7, $0x1;
	s7 =	smul.u32 $0x48000, s8  }
0x7: {  	s3 =	simm.s32 $0x0;
	s6 =	sor.u32 s5, s15;
	s11 =	smul.u32 $0x24000, s8  }
0x8: {  	[smem:$0x7FF] =	sst s3;
	s5 =	ssub.s32 $0x2, s5;
	s12 =	smul.u32 $0xD80000, s8  }
0x9: {  	s25 =	sshll.u32 s8, $0xC;
	s9 =	sand.u32 $0x7, s6;
	s6 =	sshll.u32 s6, $0x7  }
0xa: {  	_ =	strace $0x80000047;
	s13 =	sshrl.u32 s5, $0x1;
	s10 =	smul.u32 $0x30, s9  }
0xb: {  	s6 =	sand.u32 $0x380, s6;
	s9 =	smul.u32 $0x4800, s9;
	s5 =	ssub.s32 s5, s13  }
0xc: {  	s7 =	sor.u32 s7, s6;
	s31 =	smax.u32 s5, $0x1;
	s10 =	sadd.s32 $0x18, s10  }
0xd: {  	s7 =	sshrl.u32 s7, $0x3;
	s16 =	sor.u32 s12, s9;
	s17 =	sadd.s32 s11, s9  }
0xe: {  	[dreg:$0xf] =	wrdreg s31;
	s2 =	sadd.s32 s7, s2;
	s7 =	sshrl.u32 s17, $0x3  }
0xf: {  	s10 =	sshrl.u32 s10, $0x3;
	s18 =	sshrl.u32 s16, $0x3;
	s0 =	sadd.s32 s0, s7  }
0x10: {  	s10 =	smul.u32 $0xC00, s10;
	s19 =	sadd.s32 s1, s18;
	[dreg:$0x6] =	wrdreg s0  }
0x11: {  	s11 =	sadd.s32 $0x6C000, s16;
	s2 =	sadd.s32 $0xC00, s2;
	[dreg:$0x5] =	wrdreg s19  }
0x12: {  	s21 =	sadd.s32 $0x4800, s19;
	[dreg:$0xd] =	wrdreg s2;
	s10 =	sor.u32 s12, s10  }
0x13: {  	s23 =	sadd.s32 $0x9000, s19;
	[dreg:$0x7] =	wrdreg s21;
	s20 =	sshrl.u32 s10, $0x3  }
0x14: {  	[dreg:$0x9] =	wrdreg s23;
	s26 =	sadd.s32 $0x6C000, s10;
	s22 =	sadd.s32 s1, s20  }
0x15: {  	s13 =	sadd.s32 $0xB4000, s16;
	[dreg:$0xc] =	wrdreg s26;
	s0 =	sadd.s32 $0x9000, s22  }
0x16: {  	s2 =	simm.s32 $0x0;
	[dreg:$0xb] =	wrdreg s0;
	s0 =	sor.u32 s25, s6  }
0x17: {  	s24 =	sadd.s32 $0x4800, s22;
	[dreg:$0x8] =	wrdreg s22;
	s0 =	sshrl.u32 s0, $0x3  }
0x18: {  	s12 =	sadd.s32 $0x90000, s16;
	[dreg:$0xa] =	wrdreg s24;
	s0 =	sadd.s32 s4, s0  }
0x19: {  	v0 =	vimm.f32 $0.0e+00;
	v1 =	vlaneseq.u32;
	v2 =	vimm.f32 $1.000000000e+00;
	s15 =	sadd.s32 $0x90000, s10;
	s16 =	sadd.s32 $0xB4000, s10;
	[dreg:$0xe] =	wrdreg s0  }
.LBB2_1:
0x1a: {  	[dreg:$0x10] =	wrdreg s2  }
0x1b: {  	s0 =	rddreg [dreg:$0x6];
	s10 =	simm.s32 $0x3  }
0x1c: {  	[tilespmem:s3], [sflag:$0x3] =	stream.linear.gather [hbm4b:s0+s3], $0x4800, $0x38;
	[tilespmem:$0x1B200] =	vst v63  }
0x1d: {  	_ =	swait.ge [sflag:s10], $0x4800  }
0x1e: {  	[sflag:s10] =	ssyncset.done $0x0  }
0x1f: {  	s17 =	simm.s32 $0x4800;
	s14 =	rddreg [dreg:$0x5];
	[sflag:s10] =	ssyncadd.s32 $0xFFFFB800  }
0x20: {  	[tilespmem:s17], [sflag:$0x1] =	stream.linear.gather [hbm4b:s14+s3], $0x2400, $0x38;
	[tilespmem:$0x1B200] =	vst v63  }
0x21: {  	s19 =	simm.s32 $0x6C00;
	s18 =	rddreg [dreg:$0x7]  }
0x22: {  	[tilespmem:s19], [sflag:$0x1] =	stream.linear.gather [hbm4b:s18+s3], $0x2400, $0x38;
	[tilespmem:$0x1B200] =	vst v63  }
0x23: {  	s21 =	simm.s32 $0x9000;
	s20 =	rddreg [dreg:$0x9]  }
0x24: {  	[tilespmem:s21], [sflag:$0x1] =	stream.linear.gather [hbm4b:s20+s3], $0x2400, $0x38;
	[tilespmem:$0x1B200] =	vst v63  }
0x25: {  	s23 =	simm.s32 $0xB400;
	s22 =	rddreg [dreg:$0x8]  }
0x26: {  	[tilespmem:s23], [sflag:$0x2] =	stream.linear.gather [hbm4b:s22+s3], $0x2400, $0x38;
	[tilespmem:$0x1B200] =	vst v63  }
0x27: {  	s25 =	simm.s32 $0xD800;
	s31 =	simm.s32 $0xFC00;
	s24 =	rddreg [dreg:$0xa]  }
0x28: {  	[tilespmem:s25], [sflag:$0x2] =	stream.linear.gather [hbm4b:s24+s3], $0x2400, $0x38;
	[tilespmem:$0x1B200] =	vst v63  }
0x29: {  	s2 =	simm.s32 $0x0;
	s0 =	simm.s32 $0x12040;
	s26 =	rddreg [dreg:$0xb]  }
0x2a: {  	[tilespmem:s31], [sflag:$0x2] =	stream.linear.gather [hbm4b:s26+s3], $0x2400, $0x38;
	[tilespmem:$0x1B200] =	vst v63  }
.LBB2_2:
0x2b: {  	[tilespmem:s0+$0xFFFFFFC0] =	vst v0  }
0x2c: {  	[tilespmem:s0+$0x30] =	vst v0  }
0x2d: {  	[tilespmem:s0+$0x20] =	vst v0  }
0x2e: {  	[tilespmem:s0+$0x10] =	vst v0  }
0x2f: {  	[tilespmem:s0+$0x0] =	vst v0  }
0x30: {  	[tilespmem:s0+$0xFFFFFFF0] =	vst v0  }
0x31: {  	s5 =	simm.s32 $0x0;
	[tilespmem:s0+$0xFFFFFFE0] =	vst v0;
	s4 =	smov.u32 s0  }
.LBB2_3:
0x32: {  	s5 =	sadd.s32 $0x8, s5;
	[tilespmem:s4+$0xFFFFFFD0] =	vst v0;
	s4 =	sadd.s32 $0x80, s4  }
0x33: {  	[tilespmem:s4+$0xFFFFFFC0] =	vst v0;
	p0 =	slt.u32 s5, $0x18  }
0x34: {  	[tilespmem:s4+$0x30] =	vst v0  }
.Ltmp0:
0x35: {  	[tilespmem:s4+$0x20] =	vst v0;
	(pc) =	sbr.rel @p0 .LBB2_3-.Ltmp0, $4  }
0x36: {  	[tilespmem:s4+$0x10] =	vst v0  }
0x37: {  	[tilespmem:s4+$0x0] =	vst v0  }
0x38: {  	[tilespmem:s4+$0xFFFFFFF0] =	vst v0  }
0x39: {  	[tilespmem:s4+$0xFFFFFFE0] =	vst v0  }
0x3a: {  	s2 =	sadd.s32 $0x1, s2  }
0x3b: {  	p0 =	sne.s32 s2, $0x48  }
.Ltmp1:
0x3c: {  	_ = 	snop;
	(pc) =	sbr.rel @p0 .LBB2_2-.Ltmp1, $2  }
0x3d: {  	_ =	sdelay $0x2  }
0x3e: {  	[tilespmem:s4+$0xFFFFFFD0] =	vst v0;
	s0 =	sadd.s32 $0x200, s0  }
0x3f: {  	s0 =	simm.s32 $0x1B040  }
0x40: {  	[tilespmem:s0+$0xFFFFFFC0] =	vst v0  }
0x41: {  	[tilespmem:s0+$0x30] =	vst v0  }
0x42: {  	[tilespmem:s0+$0x20] =	vst v0  }
0x43: {  	[tilespmem:s0+$0x10] =	vst v0  }
0x44: {  	[tilespmem:s0+$0x0] =	vst v0  }
0x45: {  	[tilespmem:s0+$0xFFFFFFF0] =	vst v0  }
0x46: {  	s2 =	simm.s32 $0x0;
	[tilespmem:s0+$0xFFFFFFE0] =	vst v0  }
.LBB2_6:
0x47: {  	s2 =	sadd.s32 $0x8, s2;
	[tilespmem:s0+$0xFFFFFFD0] =	vst v0;
	s0 =	sadd.s32 $0x80, s0  }
0x48: {  	[tilespmem:s0+$0xFFFFFFC0] =	vst v0;
	p0 =	slt.u32 s2, $0x18  }
0x49: {  	[tilespmem:s0+$0x30] =	vst v0  }
.Ltmp2:
0x4a: {  	[tilespmem:s0+$0x20] =	vst v0;
	(pc) =	sbr.rel @p0 .LBB2_6-.Ltmp2, $4  }
0x4b: {  	[tilespmem:s0+$0x10] =	vst v0  }
0x4c: {  	[tilespmem:s0+$0x0] =	vst v0  }
0x4d: {  	[tilespmem:s0+$0xFFFFFFF0] =	vst v0  }
0x4e: {  	[tilespmem:s0+$0xFFFFFFE0] =	vst v0  }
0x4f: {  	[tilespmem:s0+$0xFFFFFFD0] =	vst v0;
	s0 =	simm.s32 $0x0;
	s5 =	simm.s32 $0x0  }
.LBB2_8:
0x50: {  	s2 =	sshrl.u32 s5, $0x3  }
0x51: {  	s4 =	sand.u32 $0x7, s0;
	s2 =	smul.u32 $0x3000, s2  }
0x52: {  	s4 =	sshll.u32 s4, $0x9  }
0x53: {  	s2 =	sor.u32 s4, s2  }
0x54: {  	s2 =	sshra.s32 s2, $0x2  }
0x55: {  	s6 =	sor.u32 $0x40, s2  }
0x56: {  	v3 =	vld [tilespmem:s6+$0xFFFFFFC0];
	_ =	sdelay $0x1  }
0x57: {  	v4 =	vld [tilespmem:s6+$0xFFFFFFD0]  }
0x58: {  	v5 =	vld [tilespmem:s6+$0x0]  }
0x59: {  	v6 =	vld [tilespmem:s6+$0x20]  }
0x5a: {  	v8 =	vld [tilespmem:s6+$0xFFFFFFE0];
	v3 =	vshll.u32 v3, $0x4  }
0x5b: {  	v10 =	vor.u32 v1, v3  }
0x5c: {  	v7 =	vld [tilespmem:s6+$0x30];
	v3 =	vshll.u32 v4, $0x4  }
0x5d: {  	v9 =	vld [tilespmem:s6+$0xFFFFFFF0];
	v4 =	vshll.u32 v5, $0x4;
	[tilespmem:s6+$0xFFFFFFC0] =	vst v10;
	v3 =	vor.u32 v1, v3  }
0x5e: {  	v4 =	vor.u32 v1, v4;
	[tilespmem:s6+$0xFFFFFFD0] =	vst v3  }
0x5f: {  	v8 =	vshll.u32 v8, $0x4;
	v5 =	vshll.u32 v6, $0x4;
	v6 =	vld [tilespmem:s6+$0x10];
	[tilespmem:s6+$0x0] =	vst v4  }
0x60: {  	s2 =	simm.s32 $0x0;
	s4 =	sadd.s32 $0x400, s6;
	v8 =	vor.u32 v1, v8;
	v5 =	vor.u32 v1, v5;
	[tilespmem:v10+s28+$0x0] =	vst.idx.add.f32.msk $0xffff, v2  }
.LBB2_9:
0x61: {  	v10 =	vld [tilespmem:s4+$0x0];
	s2 =	sadd.s32 $0x8, s2;
	[tilespmem:s6+$0xFFFFFFE0] =	vst v8;
	v7 =	vshll.u32 v7, $0x4  }
0x62: {  	v11 =	vld [tilespmem:s4+$0xFFFFFFC0];
	p0 =	slt.u32 s2, $0x10;
	v9 =	vshll.u32 v9, $0x4;
	[tilespmem:s6+$0x20] =	vst v5;
	v7 =	vor.u32 v1, v7  }
0x63: {  	v12 =	vld [tilespmem:s4+$0xFFFFFFD0];
	v9 =	vor.u32 v1, v9;
	[tilespmem:s6+$0x30] =	vst v7  }
0x64: {  	v13 =	vld [tilespmem:s4+$0x20];
	[tilespmem:s6+$0xFFFFFFF0] =	vst v9;
	v6 =	vshll.u32 v6, $0x4  }
0x65: {  	[tilespmem:v8+s28+$0x0] =	vst.idx.add.f32.msk $0xffff, v2;
	v6 =	vor.u32 v1, v6  }
0x66: {  	[tilespmem:v5+s28+$0x0] =	vst.idx.add.f32.msk $0xffff, v2  }
0x67: {  	[tilespmem:v7+s28+$0x0] =	vst.idx.add.f32.msk $0xffff, v2  }
0x68: {  	v5 =	vld [tilespmem:s4+$0xFFFFFFE0];
	[tilespmem:s6+$0x10] =	vst v6;
	s6 =	smov.u32 s4  }
0x69: {  	v7 =	vshll.u32 v11, $0x4;
	[tilespmem:v9+s28+$0x0] =	vst.idx.add.f32.msk $0xffff, v2  }
0x6a: {  	[tilespmem:v6+s28+$0x0] =	vst.idx.add.f32.msk $0xffff, v2  }
0x6b: {  	v8 =	vor.u32 v1, v7;
	v6 =	vshll.u32 v12, $0x4;
	[tilespmem:v3+s28+$0x0] =	vst.idx.add.f32.msk $0xffff, v2  }
.Ltmp3:
0x6c: {  	v11 =	vshll.u32 v13, $0x4;
	v3 =	vor.u32 v1, v6;
	[tilespmem:s4+$0xFFFFFFC0] =	vst v8;
	v7 =	vld [tilespmem:s4+$0x30];
	(pc) =	sbr.rel @p0 .LBB2_9-.Ltmp3, $4  }
0x6d: {  	v6 =	vshll.u32 v10, $0x4;
	[tilespmem:s4+$0xFFFFFFD0] =	vst v3;
	v5 =	vshll.u32 v5, $0x4;
	v9 =	vld [tilespmem:s4+$0xFFFFFFF0]  }
0x6e: {  	[tilespmem:v4+s28+$0x0] =	vst.idx.add.f32.msk $0xffff, v2;
	v4 =	vor.u32 v1, v6  }
0x6f: {  	[tilespmem:s4+$0x0] =	vst v4;
	v6 =	vld [tilespmem:s4+$0x10]  }
0x70: {  	s4 =	sadd.s32 $0x400, s4;
	[tilespmem:v8+s28+$0x0] =	vst.idx.add.f32.msk $0xffff, v2;
	v8 =	vor.u32 v1, v5;
	v5 =	vor.u32 v1, v11  }
0x71: {  	_ =	sdelay $0x1  }
0x72: {  	[tilespmem:s6+$0xFFFFFFE0] =	vst v8  }
0x73: {  	[tilespmem:s6+$0x20] =	vst v5  }
0x74: {  	[tilespmem:v3+s28+$0x0] =	vst.idx.add.f32.msk $0xffff, v2  }
0x75: {  	v7 =	vshll.u32 v7, $0x4;
	[tilespmem:v4+s28+$0x0] =	vst.idx.add.f32.msk $0xffff, v2  }
0x76: {  	v9 =	vshll.u32 v9, $0x4;
	v7 =	vor.u32 v1, v7;
	[tilespmem:v8+s28+$0x0] =	vst.idx.add.f32.msk $0xffff, v2  }
0x77: {  	s5 =	sadd.s32 $0x1, s5;
	[tilespmem:v5+s28+$0x0] =	vst.idx.add.f32.msk $0xffff, v2;
	v9 =	vor.u32 v1, v9;
	v6 =	vshll.u32 v6, $0x4  }
0x78: {  	p0 =	sne.s32 s5, $0x30;
	[tilespmem:s6+$0x30] =	vst v7;
	v6 =	vor.u32 v1, v6  }
.Ltmp4:
0x79: {  	[tilespmem:s6+$0xFFFFFFF0] =	vst v9;
	(pc) =	sbr.rel @p0 .LBB2_8-.Ltmp4, $4  }
.Ltmp5:
0x7a: {  	[tilespmem:s6+$0x10] =	vst v6;
	(pc) =	sbr.rel @!p0 .LBB2_11-.Ltmp5, $4  }
0x7b: {  	[tilespmem:v7+s28+$0x0] =	vst.idx.add.f32.msk $0xffff, v2  }
0x7c: {  	[tilespmem:v9+s28+$0x0] =	vst.idx.add.f32.msk $0xffff, v2  }
0x7d: {  	s0 =	sadd.s32 $0x1, s0;
	s23 =	simm.s32 $0x0;
	[tilespmem:v6+s28+$0x0] =	vst.idx.add.f32.msk $0xffff, v2  }
0x7e: {  	_ = 	snop  }
.LBB2_20:
0x7f: {  	s0 =	smul.u32 $0x6C000, s23  }
0x80: {  	s2 =	rddreg [dreg:$0xc]  }
0x81: {  	s2 =	sadd.s32 s0, s2  }
0x82: {  	s2 =	sshrl.u32 s2, $0x3  }
0x83: {  	s4 =	simm.s32 $0xB400;
	s25 =	sadd.s32 s0, s15;
	s2 =	sadd.s32 s1, s2  }
0x84: {  	[tilespmem:s4], [sflag:$0x2] =	stream.linear.gather [hbm4b:s2+s3], $0x2400, $0x38;
	[tilespmem:$0x1B200] =	vst v63  }
0x85: {  	s0 =	sadd.s32 s0, s16;
	s2 =	sshrl.u32 s25, $0x3  }
0x86: {  	s26 =	simm.s32 $0xD800;
	s0 =	sshrl.u32 s0, $0x3;
	s2 =	sadd.s32 s1, s2  }
0x87: {  	[tilespmem:s26], [sflag:$0x2] =	stream.linear.gather [hbm4b:s2+s3], $0x2400, $0x38;
	[tilespmem:$0x1B200] =	vst v63  }
0x88: {  	s31 =	simm.s32 $0xFC00;
	s23 =	smov.u32 s8;
	s0 =	sadd.s32 s1, s0  }
0x89: {  	[tilespmem:s31], [sflag:$0x2] =	stream.linear.gather [hbm4b:s0+s3], $0x2400, $0x38;
	[tilespmem:$0x1B200] =	vst v63  }
.LBB2_11:
0x8a: {  	_ =	swait.ge [sflag:s29], $0x2400  }
0x8b: {  	[sflag:s29] =	ssyncset.done $0x0  }
0x8c: {  	[sflag:s29] =	ssyncadd.s32 $0xFFFFDC00  }
0x8d: {  	_ =	swait.ge [sflag:s29], $0x2400  }
0x8e: {  	s0 =	smul.u32 $0x1800, s23;
	[sflag:s29] =	ssyncset.done $0x0  }
0x8f: {  	[sflag:s29] =	ssyncadd.s32 $0xFFFFDC00  }
0x90: {  	s2 =	sshra.s32 s0, $0x2;
	_ =	swait.ge [sflag:s29], $0x2400  }
0x91: {  	s8 =	simm.s32 $0x0;
	s0 =	sadd.s32 $0x12000, s2;
	[sflag:s29] =	ssyncset.done $0x0  }
0x92: {  	s5 =	sadd.s32 $0x12200, s2;
	s6 =	sadd.s32 $0x12400, s2;
	[sflag:s29] =	ssyncadd.s32 $0xFFFFDC00  }
.LBB2_12:
0x93: {  	s2 =	sshrl.u32 s8, $0x3;
	s4 =	sshll.u32 s8, $0x7  }
0x94: {  	s7 =	simm.s32 $0x0;
	s9 =	smul.u32 $0xC00, s2;
	s10 =	sand.u32 $0x380, s4  }
0x95: {  	s14 =	sand.u32 $0x40, s7;
	s2 =	sand.u32 $0xC00, s7;
	s17 =	sor.u32 $0x30, s10  }
0x96: {  	s2 =	sadd.s32 s9, s2;
	s19 =	sor.u32 s17, s14  }
0x97: {  	s18 =	sor.u32 $0x10, s10;
	s31 =	sor.u32 s10, s14;
	s7 =	sor.u32 s2, s19  }
0x98: {  	s20 =	sor.u32 s18, s14;
	s31 =	sor.u32 s2, s31;
	v5 =	vld [tilespmem:s7+$0x0]  }
0x99: {  	s20 =	sor.u32 s2, s20;
	v7 =	vld [tilespmem:s31+$0x0]  }
0x9a: {  	v3 =	vld [tilespmem:s20+$0x0]  }
0x9b: {  	s19 =	sor.u32 $0x20, s10;
	v6 =	vld [tilespmem:s7+$0x4800]  }
0x9c: {  	s4 =	sor.u32 s19, s14;
	v8 =	vld [tilespmem:s31+$0x4800]  }
0x9d: {  	v9 =	vld [tilespmem:s20+$0x4800];
	s2 =	sor.u32 s2, s4  }
0x9e: {  	v4 =	vld [tilespmem:s2+$0x0]  }
0x9f: {  	v10 =	vld [tilespmem:s2+$0x4800]  }
0xa0: {  	[tilespmem:v5+s0+$0x0] =	vst.idx.add.f32.msk $0xffff, v6  }
0xa1: {  	[tilespmem:v7+s0+$0x0] =	vst.idx.add.f32.msk $0xffff, v8  }
0xa2: {  	[tilespmem:v3+s0+$0x0] =	vst.idx.add.f32.msk $0xffff, v9  }
0xa3: {  	v6 =	vld [tilespmem:s7+$0x6C00]  }
0xa4: {  	v8 =	vld [tilespmem:s31+$0x6C00]  }
0xa5: {  	v9 =	vld [tilespmem:s20+$0x6C00]  }
0xa6: {  	[tilespmem:v4+s0+$0x0] =	vst.idx.add.f32.msk $0xffff, v10  }
0xa7: {  	v10 =	vld [tilespmem:s2+$0x6C00]  }
0xa8: {  	[tilespmem:v5+s5+$0x0] =	vst.idx.add.f32.msk $0xffff, v6  }
0xa9: {  	[tilespmem:v7+s5+$0x0] =	vst.idx.add.f32.msk $0xffff, v8  }
0xaa: {  	s21 =	simm.s32 $0x200;
	s22 =	simm.s32 $0x40;
	[tilespmem:v3+s5+$0x0] =	vst.idx.add.f32.msk $0xffff, v9  }
0xab: {  	s4 =	sand.u32 $0xC00, s21;
	v6 =	vld [tilespmem:s7+$0x9000];
	s7 =	sand.u32 $0x40, s22  }
0xac: {  	s24 =	sadd.s32 s9, s4;
	v8 =	vld [tilespmem:s31+$0x9000];
	s25 =	sor.u32 s17, s7  }
0xad: {  	[tilespmem:v4+s5+$0x0] =	vst.idx.add.f32.msk $0xffff, v10;
	s4 =	sor.u32 s24, s25  }
0xae: {  	s31 =	sor.u32 s18, s7;
	v10 =	vld [tilespmem:s4+$0x0]  }
0xaf: {  	s31 =	sor.u32 s24, s31;
	v11 =	vld [tilespmem:s4+$0x4800]  }
0xb0: {  	v13 =	vld [tilespmem:s31+$0x4800]  }
0xb1: {  	[tilespmem:v5+s6+$0x0] =	vst.idx.add.f32.msk $0xffff, v6  }
0xb2: {  	v5 =	vld [tilespmem:s20+$0x9000]  }
0xb3: {  	s26 =	sor.u32 s10, s7;
	s7 =	sor.u32 s19, s7;
	[tilespmem:v7+s6+$0x0] =	vst.idx.add.f32.msk $0xffff, v8  }
0xb4: {  	s7 =	sor.u32 s24, s7;
	v8 =	vld [tilespmem:s31+$0x0]  }
0xb5: {  	s20 =	sor.u32 s24, s26;
	v7 =	vld [tilespmem:s7+$0x0]  }
0xb6: {  	v9 =	vld [tilespmem:s20+$0x0]  }
0xb7: {  	v14 =	vld [tilespmem:s7+$0x4800]  }
0xb8: {  	v6 =	vld [tilespmem:s2+$0x9000]  }
0xb9: {  	v12 =	vld [tilespmem:s20+$0x4800]  }
0xba: {  	[tilespmem:v10+s0+$0x0] =	vst.idx.add.f32.msk $0xffff, v11  }
0xbb: {  	v11 =	vld [tilespmem:s4+$0x6C00]  }
0xbc: {  	[tilespmem:v8+s0+$0x0] =	vst.idx.add.f32.msk $0xffff, v13  }
0xbd: {  	[tilespmem:v7+s0+$0x0] =	vst.idx.add.f32.msk $0xffff, v14  }
0xbe: {  	[tilespmem:v9+s0+$0x0] =	vst.idx.add.f32.msk $0xffff, v12  }
0xbf: {  	v13 =	vld [tilespmem:s31+$0x6C00]  }
0xc0: {  	v12 =	vld [tilespmem:s20+$0x6C00]  }
0xc1: {  	v14 =	vld [tilespmem:s7+$0x6C00]  }
0xc2: {  	[tilespmem:v10+s5+$0x0] =	vst.idx.add.f32.msk $0xffff, v11  }
0xc3: {  	v11 =	vld [tilespmem:s4+$0x9000]  }
0xc4: {  	[tilespmem:v8+s5+$0x0] =	vst.idx.add.f32.msk $0xffff, v13  }
0xc5: {  	[tilespmem:v9+s5+$0x0] =	vst.idx.add.f32.msk $0xffff, v12  }
0xc6: {  	v12 =	vld [tilespmem:s20+$0x9000]  }
0xc7: {  	[tilespmem:v7+s5+$0x0] =	vst.idx.add.f32.msk $0xffff, v14  }
0xc8: {  	[tilespmem:v10+s6+$0x0] =	vst.idx.add.f32.msk $0xffff, v11  }
0xc9: {  	v11 =	vld [tilespmem:s31+$0x9000]  }
0xca: {  	s2 =	simm.s32 $0x4;
	s4 =	simm.s32 $0x80;
	v10 =	vld [tilespmem:s7+$0x9000];
	s31 =	simm.s32 $0x400  }
.LBB2_13:
0xcb: {  	s7 =	sand.u32 $0x40, s4;
	s20 =	sand.u32 $0xC00, s31;
	s2 =	sadd.s32 $0x4, s2;
	[tilespmem:v9+s6+$0x0] =	vst.idx.add.f32.msk $0xffff, v12  }
0xcc: {  	s20 =	sadd.s32 s9, s20;
	s21 =	sor.u32 s17, s7;
	p0 =	slt.u32 s2, $0x14;
	[tilespmem:v3+s6+$0x0] =	vst.idx.add.f32.msk $0xffff, v5;
	v3 =	vmov v8  }
0xcd: {  	s22 =	sor.u32 s10, s7;
	s24 =	sor.u32 s18, s7;
	s21 =	sor.u32 s20, s21;
	[tilespmem:v4+s6+$0x0] =	vst.idx.add.f32.msk $0xffff, v6;
	v4 =	vmov v7  }
0xce: {  	s7 =	sor.u32 s19, s7;
	s22 =	sor.u32 s20, s22;
	s24 =	sor.u32 s20, s24;
	v13 =	vld [tilespmem:s21+$0x0];
	v5 =	vmov v11  }
0xcf: {  	s7 =	sor.u32 s20, s7;
	v9 =	vld [tilespmem:s22+$0x0];
	v6 =	vmov v10  }
0xd0: {  	v8 =	vld [tilespmem:s24+$0x0]  }
0xd1: {  	v10 =	vld [tilespmem:s21+$0x4800]  }
0xd2: {  	v7 =	vld [tilespmem:s7+$0x0]  }
0xd3: {  	v11 =	vld [tilespmem:s22+$0x4800]  }
0xd4: {  	v12 =	vld [tilespmem:s24+$0x4800]  }
0xd5: {  	v14 =	vld [tilespmem:s7+$0x4800]  }
0xd6: {  	[tilespmem:v13+s0+$0x0] =	vst.idx.add.f32.msk $0xffff, v10  }
0xd7: {  	v10 =	vld [tilespmem:s21+$0x6C00]  }
0xd8: {  	[tilespmem:v9+s0+$0x0] =	vst.idx.add.f32.msk $0xffff, v11  }
0xd9: {  	[tilespmem:v8+s0+$0x0] =	vst.idx.add.f32.msk $0xffff, v12  }
0xda: {  	[tilespmem:v7+s0+$0x0] =	vst.idx.add.f32.msk $0xffff, v14  }
0xdb: {  	v11 =	vld [tilespmem:s22+$0x6C00]  }
0xdc: {  	[tilespmem:v13+s5+$0x0] =	vst.idx.add.f32.msk $0xffff, v10  }
0xdd: {  	v10 =	vld [tilespmem:s21+$0x9000]  }
0xde: {  	v14 =	vld [tilespmem:s24+$0x6C00]  }
0xdf: {  	v15 =	vld [tilespmem:s7+$0x6C00]  }
0xe0: {  	[tilespmem:v9+s5+$0x0] =	vst.idx.add.f32.msk $0xffff, v11  }
0xe1: {  	v12 =	vld [tilespmem:s22+$0x9000]  }
.Ltmp6:
0xe2: {  	[tilespmem:v13+s6+$0x0] =	vst.idx.add.f32.msk $0xffff, v10;
	(pc) =	sbr.rel @p0 .LBB2_13-.Ltmp6, $4  }
0xe3: {  	[tilespmem:v8+s5+$0x0] =	vst.idx.add.f32.msk $0xffff, v14  }
0xe4: {  	[tilespmem:v7+s5+$0x0] =	vst.idx.add.f32.msk $0xffff, v15  }
0xe5: {  	v11 =	vld [tilespmem:s24+$0x9000]  }
0xe6: {  	s31 =	sadd.s32 $0x200, s31;
	s4 =	sadd.s32 $0x40, s4;
	v10 =	vld [tilespmem:s7+$0x9000]  }
0xe7: {  	_ =	sdelay $0x1  }
0xe8: {  	s8 =	sadd.s32 $0x1, s8  }
0xe9: {  	p0 =	sne.s32 s8, $0x18  }
.Ltmp7:
0xea: {  	[tilespmem:v9+s6+$0x0] =	vst.idx.add.f32.msk $0xffff, v12;
	(pc) =	sbr.rel @p0 .LBB2_12-.Ltmp7, $4  }
0xeb: {  	[tilespmem:v3+s6+$0x0] =	vst.idx.add.f32.msk $0xffff, v5  }
0xec: {  	[tilespmem:v4+s6+$0x0] =	vst.idx.add.f32.msk $0xffff, v6  }
0xed: {  	[tilespmem:v8+s6+$0x0] =	vst.idx.add.f32.msk $0xffff, v11  }
0xee: {  	[tilespmem:v7+s6+$0x0] =	vst.idx.add.f32.msk $0xffff, v10  }
0xef: {  	p0 =	seq.s32 s23, $0x17  }
0xf0: {  	s2 =	smul.u32 @!p0 $0x6C000, s23;
	_ =	sdelay $0x1  }
0xf1: {  	s4 =	sadd.s32 @!p0 s2, s11  }
0xf2: {  	s4 =	sshrl.u32 @!p0 s4, $0x3  }
0xf3: {  	s7 =	simm.s32 @!p0 $0x0;
	s8 =	simm.s32 @!p0 $0x4800;
	s4 =	sadd.s32 @!p0 s1, s4  }
0xf4: {  	[tilespmem:s8], [sflag:$0x1] =	stream.linear.gather @!p0 [hbm4b:s4+s7], $0x2400, $0x38;
	[tilespmem:$0x1B200] =	vst v63  }
0xf5: {  	s4 =	sadd.s32 @!p0 s2, s12  }
0xf6: {  	s2 =	sadd.s32 @!p0 s2, s13;
	s4 =	sshrl.u32 @!p0 s4, $0x3  }
0xf7: {  	s8 =	simm.s32 @!p0 $0x6C00;
	s2 =	sshrl.u32 @!p0 s2, $0x3;
	s4 =	sadd.s32 @!p0 s1, s4  }
0xf8: {  	[tilespmem:s8], [sflag:$0x1] =	stream.linear.gather @!p0 [hbm4b:s4+s7], $0x2400, $0x38;
	[tilespmem:$0x1B200] =	vst v63  }
0xf9: {  	s2 =	sadd.s32 @!p0 s1, s2;
	s4 =	simm.s32 @!p0 $0x9000  }
0xfa: {  	[tilespmem:s4], [sflag:$0x1] =	stream.linear.gather @!p0 [hbm4b:s2+s7], $0x2400, $0x38;
	[tilespmem:$0x1B200] =	vst v63  }
0xfb: {  	_ =	swait.ge [sflag:s30], $0x2400  }
0xfc: {  	[sflag:s30] =	ssyncset.done $0x0  }
0xfd: {  	[sflag:s30] =	ssyncadd.s32 $0xFFFFDC00  }
0xfe: {  	_ =	swait.ge [sflag:s30], $0x2400  }
0xff: {  	[sflag:s30] =	ssyncset.done $0x0  }
0x100: {  	[sflag:s30] =	ssyncadd.s32 $0xFFFFDC00  }
0x101: {  	_ =	swait.ge [sflag:s30], $0x2400  }
0x102: {  	s9 =	simm.s32 $0x0;
	[sflag:s30] =	ssyncset.done $0x0  }
0x103: {  	s10 =	simm.s32 $0x0;
	s8 =	sadd.s32 $0x1, s23;
	[sflag:s30] =	ssyncadd.s32 $0xFFFFDC00  }
.LBB2_16:
0x104: {  	s2 =	sadd.s32 $0x18, s10  }
0x105: {  	s2 =	sshrl.u32 s2, $0x3  }
0x106: {  	s2 =	smul.u32 $0x3000, s2  }
0x107: {  	s4 =	sshll.u32 s10, $0x7  }
0x108: {  	s26 =	sshrl.u32 s10, $0x3;
	s4 =	sand.u32 $0x380, s4;
	s2 =	sshra.s32 s2, $0x2  }
0x109: {  	s7 =	sand.u32 $0x40, s9;
	s19 =	sand.u32 $0xC00, s9;
	s17 =	sor.u32 s4, s2  }
0x10a: {  	s21 =	sor.u32 $0x30, s7;
	s2 =	smul.u32 $0xC00, s26;
	s20 =	sadd.s32 s19, s17  }
0x10b: {  	s22 =	sadd.s32 s21, s20  }
0x10c: {  	s18 =	sor.u32 s4, s2;
	s2 =	sor.u32 $0x10, s7;
	s14 =	sadd.s32 s7, s20;
	v5 =	vld [tilespmem:s22+$0x0]  }
0x10d: {  	s26 =	sor.u32 $0x20, s7;
	s24 =	sadd.s32 s2, s20;
	v7 =	vld [tilespmem:s14+$0x0]  }
0x10e: {  	s25 =	sadd.s32 s18, s19;
	s20 =	sadd.s32 s26, s20;
	v3 =	vld [tilespmem:s24+$0x0]  }
0x10f: {  	s21 =	sor.u32 s21, s25;
	v4 =	vld [tilespmem:s20+$0x0]  }
0x110: {  	s7 =	sor.u32 s7, s25;
	v6 =	vld [tilespmem:s21+$0xB400]  }
0x111: {  	v8 =	vld [tilespmem:s7+$0xB400]  }
0x112: {  	s2 =	sor.u32 s2, s25  }
0x113: {  	s4 =	sor.u32 s26, s25;
	v9 =	vld [tilespmem:s2+$0xB400]  }
0x114: {  	v10 =	vld [tilespmem:s4+$0xB400]  }
0x115: {  	[tilespmem:v5+s0+$0x0] =	vst.idx.add.f32.msk $0xffff, v6  }
0x116: {  	[tilespmem:v7+s0+$0x0] =	vst.idx.add.f32.msk $0xffff, v8  }
0x117: {  	v6 =	vld [tilespmem:s21+$0xD800]  }
0x118: {  	[tilespmem:v3+s0+$0x0] =	vst.idx.add.f32.msk $0xffff, v9  }
0x119: {  	[tilespmem:v4+s0+$0x0] =	vst.idx.add.f32.msk $0xffff, v10  }
0x11a: {  	v8 =	vld [tilespmem:s7+$0xD800]  }
0x11b: {  	v9 =	vld [tilespmem:s2+$0xD800]  }
0x11c: {  	v10 =	vld [tilespmem:s4+$0xD800]  }
0x11d: {  	[tilespmem:v5+s5+$0x0] =	vst.idx.add.f32.msk $0xffff, v6  }
0x11e: {  	v6 =	vld [tilespmem:s21+$0xFC00]  }
0x11f: {  	[tilespmem:v7+s5+$0x0] =	vst.idx.add.f32.msk $0xffff, v8  }
0x120: {  	v8 =	vld [tilespmem:s7+$0xFC00]  }
0x121: {  	[tilespmem:v3+s5+$0x0] =	vst.idx.add.f32.msk $0xffff, v9  }
0x122: {  	[tilespmem:v4+s5+$0x0] =	vst.idx.add.f32.msk $0xffff, v10  }
0x123: {  	s14 =	simm.s32 $0x200;
	[tilespmem:v5+s6+$0x0] =	vst.idx.add.f32.msk $0xffff, v6  }
0x124: {  	s20 =	simm.s32 $0x40;
	s7 =	sand.u32 $0xC00, s14;
	v5 =	vld [tilespmem:s2+$0xFC00]  }
0x125: {  	s21 =	sadd.s32 s7, s17;
	s2 =	sand.u32 $0x40, s20;
	v6 =	vld [tilespmem:s4+$0xFC00]  }
0x126: {  	[tilespmem:v7+s6+$0x0] =	vst.idx.add.f32.msk $0xffff, v8;
	s19 =	sor.u32 $0x30, s2;
	s14 =	sadd.s32 s2, s21  }
0x127: {  	s26 =	sor.u32 $0x10, s2;
	s25 =	sadd.s32 s19, s21;
	v8 =	vld [tilespmem:s14+$0x0]  }
0x128: {  	s7 =	sadd.s32 s18, s7;
	s24 =	sadd.s32 s26, s21;
	v10 =	vld [tilespmem:s25+$0x0]  }
0x129: {  	s25 =	sor.u32 $0x20, s2;
	v7 =	vld [tilespmem:s24+$0x0];
	s2 =	sor.u32 s2, s7  }
0x12a: {  	s19 =	sor.u32 s19, s7;
	v12 =	vld [tilespmem:s2+$0xB400]  }
0x12b: {  	s26 =	sor.u32 s26, s7;
	v11 =	vld [tilespmem:s19+$0xB400]  }
0x12c: {  	v13 =	vld [tilespmem:s26+$0xB400];
	s4 =	sadd.s32 s25, s21  }
0x12d: {  	s7 =	sor.u32 s25, s7;
	v9 =	vld [tilespmem:s4+$0x0]  }
0x12e: {  	v14 =	vld [tilespmem:s7+$0xB400]  }
0x12f: {  	[tilespmem:v8+s0+$0x0] =	vst.idx.add.f32.msk $0xffff, v12  }
0x130: {  	[tilespmem:v10+s0+$0x0] =	vst.idx.add.f32.msk $0xffff, v11  }
0x131: {  	[tilespmem:v7+s0+$0x0] =	vst.idx.add.f32.msk $0xffff, v13  }
0x132: {  	v11 =	vld [tilespmem:s19+$0xD800]  }
0x133: {  	v12 =	vld [tilespmem:s2+$0xD800]  }
0x134: {  	v13 =	vld [tilespmem:s26+$0xD800]  }
0x135: {  	[tilespmem:v9+s0+$0x0] =	vst.idx.add.f32.msk $0xffff, v14  }
0x136: {  	v14 =	vld [tilespmem:s7+$0xD800]  }
0x137: {  	[tilespmem:v10+s5+$0x0] =	vst.idx.add.f32.msk $0xffff, v11  }
0x138: {  	v11 =	vld [tilespmem:s19+$0xFC00]  }
0x139: {  	[tilespmem:v8+s5+$0x0] =	vst.idx.add.f32.msk $0xffff, v12  }
0x13a: {  	v12 =	vld [tilespmem:s2+$0xFC00]  }
0x13b: {  	[tilespmem:v7+s5+$0x0] =	vst.idx.add.f32.msk $0xffff, v13  }
0x13c: {  	[tilespmem:v9+s5+$0x0] =	vst.idx.add.f32.msk $0xffff, v14  }
0x13d: {  	[tilespmem:v10+s6+$0x0] =	vst.idx.add.f32.msk $0xffff, v11  }
0x13e: {  	v11 =	vld [tilespmem:s26+$0xFC00]  }
0x13f: {  	s31 =	simm.s32 $0x400;
	s2 =	simm.s32 $0x80;
	s19 =	simm.s32 $0x4;
	v10 =	vld [tilespmem:s7+$0xFC00]  }
.LBB2_17:
0x140: {  	s4 =	sand.u32 $0x40, s2;
	s7 =	sand.u32 $0xC00, s31;
	s19 =	sadd.s32 $0x4, s19;
	[tilespmem:v8+s6+$0x0] =	vst.idx.add.f32.msk $0xffff, v12  }
0x141: {  	s20 =	sadd.s32 s7, s17;
	s21 =	sor.u32 $0x30, s4;
	p1 =	slt.u32 s19, $0x14;
	[tilespmem:v3+s6+$0x0] =	vst.idx.add.f32.msk $0xffff, v5;
	v3 =	vmov v7  }
0x142: {  	s22 =	sor.u32 $0x10, s4;
	s24 =	sor.u32 $0x20, s4;
	s25 =	sadd.s32 s21, s20;
	[tilespmem:v4+s6+$0x0] =	vst.idx.add.f32.msk $0xffff, v6;
	v4 =	vmov v9  }
0x143: {  	s26 =	sadd.s32 s4, s20;
	s14 =	sadd.s32 s22, s20;
	s20 =	sadd.s32 s24, s20;
	v13 =	vld [tilespmem:s25+$0x0];
	v5 =	vmov v11  }
0x144: {  	s7 =	sadd.s32 s18, s7;
	v8 =	vld [tilespmem:s26+$0x0];
	v6 =	vmov v10  }
0x145: {  	s4 =	sor.u32 s4, s7;
	s21 =	sor.u32 s21, s7;
	v7 =	vld [tilespmem:s14+$0x0];
	s14 =	sor.u32 s22, s7  }
0x146: {  	s7 =	sor.u32 s24, s7;
	v10 =	vld [tilespmem:s21+$0xB400]  }
0x147: {  	v9 =	vld [tilespmem:s20+$0x0]  }
0x148: {  	v11 =	vld [tilespmem:s4+$0xB400]  }
0x149: {  	v12 =	vld [tilespmem:s14+$0xB400]  }
0x14a: {  	v14 =	vld [tilespmem:s7+$0xB400]  }
0x14b: {  	[tilespmem:v13+s0+$0x0] =	vst.idx.add.f32.msk $0xffff, v10  }
0x14c: {  	v10 =	vld [tilespmem:s21+$0xD800]  }
0x14d: {  	[tilespmem:v8+s0+$0x0] =	vst.idx.add.f32.msk $0xffff, v11  }
0x14e: {  	[tilespmem:v7+s0+$0x0] =	vst.idx.add.f32.msk $0xffff, v12  }
0x14f: {  	[tilespmem:v9+s0+$0x0] =	vst.idx.add.f32.msk $0xffff, v14  }
0x150: {  	v11 =	vld [tilespmem:s4+$0xD800]  }
0x151: {  	[tilespmem:v13+s5+$0x0] =	vst.idx.add.f32.msk $0xffff, v10  }
0x152: {  	v10 =	vld [tilespmem:s21+$0xFC00]  }
0x153: {  	v14 =	vld [tilespmem:s14+$0xD800]  }
0x154: {  	v15 =	vld [tilespmem:s7+$0xD800]  }
0x155: {  	[tilespmem:v8+s5+$0x0] =	vst.idx.add.f32.msk $0xffff, v11  }
0x156: {  	v12 =	vld [tilespmem:s4+$0xFC00]  }
.Ltmp8:
0x157: {  	[tilespmem:v13+s6+$0x0] =	vst.idx.add.f32.msk $0xffff, v10;
	(pc) =	sbr.rel @p1 .LBB2_17-.Ltmp8, $4  }
0x158: {  	[tilespmem:v7+s5+$0x0] =	vst.idx.add.f32.msk $0xffff, v14  }
0x159: {  	[tilespmem:v9+s5+$0x0] =	vst.idx.add.f32.msk $0xffff, v15  }
0x15a: {  	v11 =	vld [tilespmem:s14+$0xFC00]  }
0x15b: {  	s31 =	sadd.s32 $0x200, s31;
	s2 =	sadd.s32 $0x40, s2;
	v10 =	vld [tilespmem:s7+$0xFC00]  }
0x15c: {  	_ =	sdelay $0x1  }
0x15d: {  	s10 =	sadd.s32 $0x1, s10  }
0x15e: {  	p1 =	sne.s32 s10, $0x18  }
.Ltmp9:
0x15f: {  	[tilespmem:v8+s6+$0x0] =	vst.idx.add.f32.msk $0xffff, v12;
	(pc) =	sbr.rel @p1 .LBB2_16-.Ltmp9, $4  }
0x160: {  	[tilespmem:v3+s6+$0x0] =	vst.idx.add.f32.msk $0xffff, v5  }
0x161: {  	[tilespmem:v4+s6+$0x0] =	vst.idx.add.f32.msk $0xffff, v6  }
0x162: {  	[tilespmem:v7+s6+$0x0] =	vst.idx.add.f32.msk $0xffff, v11  }
0x163: {  	[tilespmem:v9+s6+$0x0] =	vst.idx.add.f32.msk $0xffff, v10  }
.Ltmp10:
0x164: {  	(pc) =	sbr.rel @!p0 .LBB2_20-.Ltmp10, $1  }
0x165: {  	_ =	sdelay $0x3  }
0x166: {  	s0 =	rddreg [dreg:$0xd];
	s2 =	simm.s32 $0x80  }
0x167: {  	s4 =	simm.s32 $0x400;
	s5 =	simm.s32 $0x12000;
	s24 =	simm.s32 $0x4  }
0x168: {  	[hbm4b:s0+s2] =	stream.strided.scatter [tilespmem:s5], [sflag:$0x4], $0x9000, s4, s2, $0x38;
	[tilespmem:$0x1B200] =	vst v63  }
0x169: {  	_ =	swait.ge [sflag:s24], $0x9000  }
0x16a: {  	[sflag:s24] =	ssyncset.done $0x0  }
0x16b: {  	s25 =	rddreg [dreg:$0xe];
	[sflag:s24] =	ssyncadd.s32 $0xFFFF7000  }
0x16c: {  	[hbm4b:s25+s2] =	stream.strided.scatter [tilespmem:s28], [sflag:$0x4], $0x200, s4, s2, $0x38;
	[tilespmem:$0x1B200] =	vst v63  }
0x16d: {  	_ =	swait.ge [sflag:s24], $0x200  }
0x16e: {  	s26 =	rddreg [dreg:$0x10]  }
0x16f: {  	s31 =	rddreg [dreg:$0xf];
	s2 =	sadd.s32 $0x1, s26  }
0x170: {  	p0 =	sne.s32 s2, s31  }
.Ltmp11:
0x171: {  	_ = 	snop;
	(pc) =	sbr.rel @p0 .LBB2_1-.Ltmp11, $3  }
0x172: {  	_ =	sdelay $0x1  }
0x173: {  	[sflag:s24] =	ssyncset.done $0x0  }
0x174: {  	[sflag:s24] =	ssyncadd.s32 $0xFFFFFE00  }
0x175: {  	_ =	sfence.sel $0x180000  }
0x176: {  	[bflag:$0x0] =	sbarrier.arrive $0xFFFF  }
0x177: {  	_ =	strace $0x90000047  }
0x178: {  	s0 =	stileid.u32;
	[bflag:$0x2] =	sbarrier.arrive $0xFFFF  }
0x179: {  	p0 =	sne.s32 s0, $0x0;
	s0 =	rddreg [dreg:$0x4]  }
0x17a: {  	s0 =	sadd.s32 @!p0 $0x100000, s0  }
0x17b: {  	[sflag:s0] =	ssyncadd.tile.s32 @!p0 $0x1;
	_ =	shalt  }
.Lfunc_end2:
_tile_overlayer_lowered:
.L_overlay_start_2:
0x17c: {  	(tag) =	ssettag $0x2  }
0x17d: {  	s0 =	rddreg [dreg:$0x0];
	s2 =	stileid.u32  }
0x17e: {  	s1 =	rddreg [dreg:$0x1];
	p0 =	sne.s32 s2, $0x0  }
0x17f: {  	s3 =	rddreg [dreg:$0x2];
	[bflag:$0x3] =	sbarrier.arrive $0xFFFF;
	s2 =	simm.s32 @!p0 $0x1C04  }
0x180: {  	[timem:s3], [sflag:s2] =	dma.local @!p0 [hbm:s0], s1  }
0x181: {  	s0 =	simm.s32 @!p0 $0x4  }
0x182: {  	_ =	swait.ge @!p0 [sflag:s0], s1  }
0x183: {  	s1 =	ssub.s32 @!p0 $0x0, s1;
	[sflag:s0] =	ssyncset.done @!p0 $0x0  }
0x184: {  	[sflag:s0] =	ssyncadd.s32 @!p0 s1  }
0x185: {  	[bflag:$0x3] =	sbarrier.arrive $0xFFFF  }
0x186: {  	_ =	shalt  }

</sc_bundles>
